<compile_context>
chip_gen: v7x
topology: tpu7x:2x2x1
jax: 0.10.2.dev20260603
libtpu: 0.0.44.dev20260713+nightly
codegen_flags: <defaults>
</compile_context>

<pallas_src>
import functools

import jax
import jax.numpy as jnp
from jax import lax
from jax.experimental import pallas as pl
from jax.experimental.pallas import tpu as pltpu
from jax.experimental.pallas import tpu_sc as plsc

_LANES = 128


def _knn_body(k_neigh, cc, xall_ref, xblk_ref, w1_ref, idx_ref, p_ref, s_ref,
              sq_ref, col_ref):
    b = pl.program_id(0)
    rblk = pl.program_id(1)
    xblk = xblk_ref[0]
    r, n = s_ref.shape
    n_cc = n // cc
    row_g = rblk * r + lax.broadcasted_iota(jnp.int32, (r, cc), 0)

    @pl.when(rblk == 0)
    def _():
        for j in range(n_cc):
            xc = xall_ref[0, pl.ds(j * cc, cc), :]
            sq_ref[pl.ds(j * cc, cc), :] = jnp.sum(xc * xc, axis=1, keepdims=True)

    @pl.when((b == 0) & (rblk == 0))
    def _():
        for j in range(n_cc):
            col_ref[:, pl.ds(j * cc, cc)] = (
                jnp.float32(j * cc)
                + lax.broadcasted_iota(jnp.int32, (r, cc), 1).astype(jnp.float32)
            )

    xblk2 = -2.0 * xblk
    ones_col = jnp.ones((r, 1), jnp.float32)
    big = jnp.float32(3.0e38)

    for j in range(n_cc):
        xc = xall_ref[0, pl.ds(j * cc, cc), :]
        sq = sq_ref[pl.ds(j * cc, cc), :]
        dot = lax.dot_general(
            xblk2, xc, (((1,), (1,)), ((), ())), preferred_element_type=jnp.float32
        )
        bcast = lax.dot_general(
            ones_col, sq, (((1,), (1,)), ((), ())),
            preferred_element_type=jnp.float32,
            precision=lax.Precision.HIGHEST,
        )
        sv = bcast + dot
        col = j * cc + lax.broadcasted_iota(jnp.int32, (r, cc), 1)
        s_ref[:, pl.ds(j * cc, cc)] = jnp.where(col == row_g, big, sv)

    lane = lax.broadcasted_iota(jnp.int32, (r, _LANES), 1)
    base = b * n

    def step(t, carry):
        amin_prev, acc = carry

        m128 = jnp.full((r, _LANES), big)
        for j in range(n // _LANES):
            sv = s_ref[:, pl.ds(j * _LANES, _LANES)]
            cf = col_ref[:, pl.ds(j * _LANES, _LANES)]
            sv = jnp.where(cf == amin_prev, big, sv)
            s_ref[:, pl.ds(j * _LANES, _LANES)] = sv
            m128 = jnp.minimum(m128, sv)
        m = jnp.min(m128, axis=1, keepdims=True)

        a128 = jnp.full((r, _LANES), big)
        for j in range(n // _LANES):
            sv = s_ref[:, pl.ds(j * _LANES, _LANES)]
            cf = col_ref[:, pl.ds(j * _LANES, _LANES)]
            a128 = jnp.minimum(a128, jnp.where(sv <= m, cf, big))
        amin = jnp.min(a128, axis=1, keepdims=True)
        acc = jnp.where(lane == t, amin.astype(jnp.int32) + base, acc)
        return amin, acc

    _, acc = lax.fori_loop(
        0, k_neigh, step,
        (jnp.full((r, 1), -1.0, jnp.float32), jnp.zeros((r, _LANES), jnp.int32)),
    )
    idx_ref[0] = acc
    p_ref[0] = jnp.dot(xblk, w1_ref[...], preferred_element_type=jnp.float32)


def _knn(pos, w1, k_neigh, row_blk, col_chunk=512):
    b, n, c = pos.shape
    grid = (b, n // row_blk)
    return pl.pallas_call(
        functools.partial(_knn_body, k_neigh, col_chunk),
        grid=grid,
        in_specs=[
            pl.BlockSpec((1, n, c), lambda i, j: (i, 0, 0)),
            pl.BlockSpec((1, row_blk, c), lambda i, j: (i, j, 0)),
            pl.BlockSpec((c, c), lambda i, j: (0, 0)),
        ],
        out_specs=[
            pl.BlockSpec((1, row_blk, _LANES), lambda i, j: (i, j, 0)),
            pl.BlockSpec((1, row_blk, c), lambda i, j: (i, j, 0)),
        ],
        out_shape=[
            jax.ShapeDtypeStruct((b, n, _LANES), jnp.int32),
            jax.ShapeDtypeStruct((b, n, c), jnp.float32),
        ],
        scratch_shapes=[
            pltpu.VMEM((row_blk, n), jnp.float32),
            pltpu.VMEM((n, 1), jnp.float32),
            pltpu.VMEM((row_blk, n), jnp.float32),
        ],
    )(pos, pos, w1)


def _make_sc_gather(n_idx, d, chunk):
    info = plsc.get_sparse_core_info()
    nw = info.num_cores * info.num_subcores
    per_w = n_idx // nw
    n_chunks = per_w // chunk
    mesh = plsc.VectorSubcoreMesh(core_axis_name="c", subcore_axis_name="s")

    @functools.partial(
        pl.kernel,
        out_type=jax.ShapeDtypeStruct((n_idx, d), jnp.float32),
        mesh=mesh,
        scratch_types=[
            pltpu.VMEM((chunk,), jnp.int32),
            pltpu.VMEM((chunk, d), jnp.float32),
            pltpu.SemaphoreType.DMA,
        ],
    )
    def k(table_hbm, idx_hbm, out_hbm, idx_v, rows_v, sem):
        wid = lax.axis_index("s") * info.num_cores + lax.axis_index("c")
        base = wid * per_w

        def body(i, carry):
            off = base + i * chunk
            pltpu.sync_copy(idx_hbm.at[pl.ds(off, chunk)], idx_v)
            pltpu.async_copy(table_hbm.at[idx_v], rows_v, sem).wait()
            pltpu.sync_copy(rows_v, out_hbm.at[pl.ds(off, chunk)])
            return carry

        lax.fori_loop(0, n_chunks, body, 0)

    return k


def _stats_body(k_neigh, c, g_ref, p_ref, b1_ref, out_ref, acc_ref):
    i = pl.program_id(0)
    rk, _ = g_ref.shape
    r = rk // k_neigh
    h = g_ref[:, :c].reshape(r, k_neigh, c) - p_ref[...][:, None, :] + b1_ref[0][None, None, :]

    @pl.when(i == 0)
    def _():
        acc_ref[...] = jnp.zeros_like(acc_ref)

    acc_ref[0, :] += jnp.sum(h, axis=(0, 1))
    acc_ref[1, :] += jnp.sum(h * h, axis=(0, 1))

    @pl.when(i == pl.num_programs(0) - 1)
    def _():
        out_ref[...] = acc_ref[...]


def _stats(g, p_flat, bt1, k_neigh, row_blk):
    bn, c = p_flat.shape
    grid = (bn // row_blk,)
    return pl.pallas_call(
        functools.partial(_stats_body, k_neigh, c),
        grid=grid,
        in_specs=[
            pl.BlockSpec((row_blk * k_neigh, g.shape[1]), lambda i: (i, 0)),
            pl.BlockSpec((row_blk, c), lambda i: (i, 0)),
            pl.BlockSpec((1, c), lambda i: (0, 0)),
        ],
        out_specs=pl.BlockSpec((2, c), lambda i: (0, 0)),
        out_shape=jax.ShapeDtypeStruct((2, c), jnp.float32),
        scratch_shapes=[pltpu.VMEM((2, c), jnp.float32)],
    )(g, p_flat, bt1.reshape(1, c))


def _head_body(k_neigh, c, ce, n_edges, g_ref, p_ref, x_ref, e_ref, st_ref,
               b1_ref, g1_ref, be1_ref, w2_ref, b2_ref, wpx_ref, bpx_ref,
               wte_ref, bte_ref, wpe_ref, bpe_ref, pos_out_ref, ene_out_ref):
    rk, _ = g_ref.shape
    r = rk // k_neigh
    mu = st_ref[0, :] / n_edges
    var = st_ref[1, :] / n_edges - mu * mu
    rstd = lax.rsqrt(var + 1e-5)
    scale = rstd * g1_ref[0]
    shift = be1_ref[0] + (b1_ref[0] - mu) * scale

    h1 = g_ref[:, :c].reshape(r, k_neigh, c) - p_ref[...][:, None, :]
    hn = h1 * scale[None, None, :] + shift[None, None, :]
    relu = jnp.maximum(hn, 0.0).reshape(rk, c)
    h2 = jnp.dot(relu, w2_ref[...], preferred_element_type=jnp.float32)
    hx = jnp.max(h2.reshape(r, k_neigh, c), axis=1)
    skip_x = jnp.dot(x_ref[...], wpx_ref[...], preferred_element_type=jnp.float32)
    pos_out_ref[...] = hx + b2_ref[0][None, :] + skip_x + bpx_ref[0][None, :]

    esum = jnp.sum(g_ref[:, c:c + ce].reshape(r, k_neigh, ce), axis=1)
    de = esum * (1.0 / k_neigh) - e_ref[...]
    he = jnp.dot(de, wte_ref[...], preferred_element_type=jnp.float32)
    skip_e = jnp.dot(e_ref[...], wpe_ref[...], preferred_element_type=jnp.float32)
    ene_out_ref[...] = he + bte_ref[0][None, :] + skip_e + bpe_ref[0][None, :]


def _head(g, p_flat, x_flat, e_flat, stats, b1, g1, be1, w2, b2, wpx, bpx,
          wte, bte, wpe, bpe, k_neigh, row_blk):
    bn, c = p_flat.shape
    ce = e_flat.shape[1]
    d = g.shape[1]
    n_edges = float(g.shape[0])
    grid = (bn // row_blk,)
    vec = lambda v: v.reshape(1, -1)
    full = lambda shape: pl.BlockSpec(shape, lambda i: tuple(0 for _ in shape))
    return pl.pallas_call(
        functools.partial(_head_body, k_neigh, c, ce, n_edges),
        grid=grid,
        in_specs=[
            pl.BlockSpec((row_blk * k_neigh, d), lambda i: (i, 0)),
            pl.BlockSpec((row_blk, c), lambda i: (i, 0)),
            pl.BlockSpec((row_blk, c), lambda i: (i, 0)),
            pl.BlockSpec((row_blk, ce), lambda i: (i, 0)),
            full((2, c)),
            full((1, c)), full((1, c)), full((1, c)),
            full((c, c)), full((1, c)),
            full((c, c)), full((1, c)),
            full((ce, ce)), full((1, ce)),
            full((ce, ce)), full((1, ce)),
        ],
        out_specs=[
            pl.BlockSpec((row_blk, c), lambda i: (i, 0)),
            pl.BlockSpec((row_blk, ce), lambda i: (i, 0)),
        ],
        out_shape=[
            jax.ShapeDtypeStruct((bn, c), jnp.float32),
            jax.ShapeDtypeStruct((bn, ce), jnp.float32),
        ],
    )(g, p_flat, x_flat, e_flat, stats, vec(b1), vec(g1), vec(be1), w2, vec(b2),
      wpx, vec(bpx), wte, vec(bte), wpe, vec(bpe))


def kernel(pos_feat, ene_feat, Wt1, bt1, g1, be1, Wt2, bt2, Wpx, bpx, Wte, bte, Wpe, bpe):
    b, n, c = pos_feat.shape
    ce = ene_feat.shape[2]
    k_neigh = min(20, n - 1)

    idx128, p = _knn(pos_feat, Wt1, k_neigh, row_blk=128)
    gidx = idx128.reshape(b * n, _LANES)[:, :k_neigh].reshape(-1)

    d_pad = 128
    pad = jnp.zeros((b * n, d_pad - c - ce), jnp.float32)
    table = jnp.concatenate(
        [p.reshape(b * n, c), ene_feat.reshape(b * n, ce), pad], axis=1
    )
    g = _make_sc_gather(gidx.shape[0], d_pad, chunk=128)(table, gidx)

    p_flat = p.reshape(b * n, c)
    stats = _stats(g, p_flat, bt1, k_neigh, row_blk=512)
    pos_o, ene_o = _head(
        g, p_flat, pos_feat.reshape(b * n, c), ene_feat.reshape(b * n, ce),
        stats, bt1, g1, be1, Wt2, bt2, Wpx, bpx, Wte, bte, Wpe, bpe,
        k_neigh, row_blk=256,
    )
    return (pos_o.reshape(b, n, c), ene_o.reshape(b, n, ce))

# --- scband reference (transcript-rebuilt; emitter-appended) ---
"""Pipeline reference for scband-dual-edge-conv-14242111554012 (READ-ONLY COPY).

The authoritative reference and input builder live on the scoring server;
editing this copy changes nothing except your own understanding.
"""

import jax, jax.numpy as jnp
import numpy as np

K_NEIGH = 20

def _pairwise_dist(x):
    sq = jnp.sum(x * x, axis=-1)
    d2 = sq[:, :, None] + sq[:, None, :] - 2.0 * jnp.einsum('bnc,bmc->bnm', x, x)
    d2 = jnp.maximum(d2, 0.0)
    return jnp.sqrt(d2)

def _knn_idx(pos, k):
    B, N, _ = pos.shape
    k_eff = min(k, N - 1)
    dist = _pairwise_dist(pos)
    eye = jnp.eye(N, dtype=pos.dtype)[None]
    dist = dist + eye * 1e9
    _, idx = jax.lax.top_k(-jax.lax.stop_gradient(dist), k_eff)
    return idx

def _gather_neighbors(x, idx):
    # x: (B,N,C), idx: (B,N,K) -> (B,N,K,C)
    return jax.vmap(lambda xb, ib: xb[ib])(x, idx)

def _bn_train(x, gamma, beta, eps=1e-5):
    mu = jnp.mean(x, axis=0)
    var = jnp.mean((x - mu) ** 2, axis=0)
    return (x - mu) / jnp.sqrt(var + eps) * gamma + beta

def _theta_x(x, Wt1, bt1, g1, be1, Wt2, bt2):
    s = x.shape
    h = x.reshape(-1, s[-1])
    h = h @ Wt1 + bt1
    h = _bn_train(h, g1, be1)
    h = jax.nn.relu(h)
    h = h @ Wt2 + bt2
    return h.reshape(*s[:-1], -1)

def setup_inputs(seed: int = 0):
    key = jax.random.key(seed)
    ks = jax.random.split(key, 8)
    B, N = 2, 4096
    pos_in, pos_out, ene_in, ene_out = 64, 64, 32, 32
    def w(k, i, o):
        return (jax.random.normal(k, (i, o), dtype=jnp.float32) / np.sqrt(i)).astype(jnp.float32)
    return {
        'pos_feat': jax.random.normal(ks[0], (B, N, pos_in), dtype=jnp.float32),
        'ene_feat': jax.random.normal(ks[1], (B, N, ene_in), dtype=jnp.float32),
        'Wt1': w(ks[2], pos_in, pos_out), 'bt1': jnp.zeros((pos_out,), jnp.float32),
        'g1': jnp.ones((pos_out,), jnp.float32), 'be1': jnp.zeros((pos_out,), jnp.float32),
        'Wt2': w(ks[3], pos_out, pos_out), 'bt2': jnp.zeros((pos_out,), jnp.float32),
        'Wpx': w(ks[4], pos_in, pos_out), 'bpx': jnp.zeros((pos_out,), jnp.float32),
        'Wte': w(ks[5], ene_in, ene_out), 'bte': jnp.zeros((ene_out,), jnp.float32),
        'Wpe': w(ks[6], ene_in, ene_out), 'bpe': jnp.zeros((ene_out,), jnp.float32),
    }

def reference(pos_feat, ene_feat, Wt1, bt1, g1, be1, Wt2, bt2, Wpx, bpx, Wte, bte, Wpe, bpe):
    idx = _knn_idx(pos_feat, K_NEIGH)
    # position branch
    x_j = _gather_neighbors(pos_feat, idx)
    dx = x_j - pos_feat[:, :, None, :]
    hx = _theta_x(dx, Wt1, bt1, g1, be1, Wt2, bt2).max(axis=2)
    skip_x = pos_feat @ Wpx + bpx
    pos_next = hx + skip_x
    # energy branch
    e_j = _gather_neighbors(ene_feat, idx)
    de = e_j - ene_feat[:, :, None, :]
    he = (de @ Wte + bte).mean(axis=2)
    skip_e = ene_feat @ Wpe + bpe
    ene_next = he + skip_e
    return (pos_next, ene_next)

if __name__ == "__main__":
    import jax
    _d = setup_inputs()
    print(jax.jit(kernel)(*tuple(_d.values())))

</pallas_src>

<mosaic_0001>
#map = affine_map<(d0, d1) -> (0, 0)>
#map1 = affine_map<(d0, d1) -> (0)>
module attributes {stable_mosaic.version = 14 : i64} {
  func.func @k(%arg0: i32, %arg1: i32, %arg2: memref<8192x128xf32, #tpu.memory_space<hbm>>, %arg3: memref<163840xi32, #tpu.memory_space<hbm>>, %arg4: memref<163840x128xf32, #tpu.memory_space<hbm>>, %arg5: memref<128xi32, #tpu.memory_space<vmem>>, %arg6: memref<128x128xf32, #tpu.memory_space<vmem>>, %arg7: memref<!tpu.dma_semaphore, #tpu.memory_space<semaphore_mem>>) attributes {dimension_semantics = [#tpu.dimension_semantics<core_parallel>, #tpu.dimension_semantics<subcore_parallel>], iteration_bounds = array<i64: 2, 16>, scalar_prefetch = 0 : i64, scratch_operands = 3 : i64, tpu.core_type = #tpu.core_type<sc_vector_subcore>, window_params = [{transform_indices = #map}, {transform_indices = #map1}, {transform_indices = #map}]} {
    %mul3A = arith.constant 2 : i32
    %mul3A_0 = arith.muli %arg1, %mul3A : i32
    %add3A = arith.addi %mul3A_0, %arg0 : i32
    %mul3A_1 = arith.constant 5120 : i32
    %mul3A_2 = arith.muli %add3A, %mul3A_1 : i32
    %scan3A = arith.constant 0 : i32
    %scan3A_3 = arith.constant 0 : i32
    %scan3A_4 = arith.constant 40 : i32
    %scan3A_5 = arith.addi %scan3A_3, %scan3A_4 : i32
    %scan3A_6 = arith.constant 1 : i32
    scf.for %scan3A_8 = %scan3A_3 to %scan3A_5 step %scan3A_6  : i32 {
      %mul3A_9 = arith.constant 128 : i32
      %mul3A_10 = arith.muli %scan3A_8, %mul3A_9 : i32
      %add3A_11 = arith.addi %mul3A_2, %mul3A_10 : i32
      "tpu.region"() ({
        %run_scoped3A = tpu.sem_alloc : memref<!tpu.dma_semaphore, #tpu.memory_space<semaphore_mem>>
        %dma_start3A_16 = tpu.memref_slice %arg3[%add3A_11] : memref<163840xi32, #tpu.memory_space<hbm>> -> memref<128xi32, #tpu.memory_space<hbm>>
        %dma_start3A_17 = tpu.memref_slice %arg3[%add3A_11] : memref<163840xi32, #tpu.memory_space<hbm>> -> memref<128xi32, #tpu.memory_space<hbm>>
        tpu.enqueue_dma source(%dma_start3A_17 : memref<128xi32, #tpu.memory_space<hbm>>) target(%arg5 : memref<128xi32, #tpu.memory_space<vmem>>) target_semaphore(%run_scoped3A : memref<!tpu.dma_semaphore, #tpu.memory_space<semaphore_mem>>)
        %dma_wait3A_18 = tpu.memref_slice %arg3[%add3A_11] : memref<163840xi32, #tpu.memory_space<hbm>> -> memref<128xi32, #tpu.memory_space<hbm>>
        %dma_wait3A_19 = tpu.memref_slice %arg3[%add3A_11] : memref<163840xi32, #tpu.memory_space<hbm>> -> memref<128xi32, #tpu.memory_space<hbm>>
        tpu.wait_dma2 semaphore(%run_scoped3A : memref<!tpu.dma_semaphore, #tpu.memory_space<semaphore_mem>>) src(%dma_wait3A_19 : memref<128xi32, #tpu.memory_space<hbm>>) dst(%arg5 : memref<128xi32, #tpu.memory_space<vmem>>)
        tpu.yield
      }) : () -> ()
      %dma_start3A = arith.constant 0 : i32
      %dma_start3A_12 = arith.constant 0 : i32
      %dma_start3A_13 = tpu.memref_slice %arg2[%dma_start3A, %dma_start3A_12] : memref<8192x128xf32, #tpu.memory_space<hbm>> -> memref<8192x128xf32, #tpu.memory_space<hbm>>
      tpu.enqueue_indirect_dma source(%dma_start3A_13 : memref<8192x128xf32, #tpu.memory_space<hbm>>) target(%arg6 : memref<128x128xf32, #tpu.memory_space<vmem>>) offsets(%arg5 : memref<128xi32, #tpu.memory_space<vmem>>) semaphore(%arg7 : memref<!tpu.dma_semaphore, #tpu.memory_space<semaphore_mem>>)
      %dma_wait3A = arith.constant 0 : i32
      %dma_wait3A_14 = arith.constant 0 : i32
      %dma_wait3A_15 = tpu.memref_slice %arg2[%dma_wait3A, %dma_wait3A_14] : memref<8192x128xf32, #tpu.memory_space<hbm>> -> memref<8192x128xf32, #tpu.memory_space<hbm>>
      tpu.wait_indirect_dma semaphore(%arg7 : memref<!tpu.dma_semaphore, #tpu.memory_space<semaphore_mem>>) src(%dma_wait3A_15 : memref<8192x128xf32, #tpu.memory_space<hbm>>) dst(%arg6 : memref<128x128xf32, #tpu.memory_space<vmem>>)
      "tpu.region"() ({
        %run_scoped3A = tpu.sem_alloc : memref<!tpu.dma_semaphore, #tpu.memory_space<semaphore_mem>>
        %dma_start3A_16 = arith.constant 0 : i32
        %dma_start3A_17 = tpu.memref_slice %arg4[%add3A_11, %dma_start3A_16] : memref<163840x128xf32, #tpu.memory_space<hbm>> -> memref<128x128xf32, #tpu.memory_space<hbm>>
        %dma_start3A_18 = arith.constant 0 : i32
        %dma_start3A_19 = tpu.memref_slice %arg4[%add3A_11, %dma_start3A_18] : memref<163840x128xf32, #tpu.memory_space<hbm>> -> memref<128x128xf32, #tpu.memory_space<hbm>>
        tpu.enqueue_dma source(%arg6 : memref<128x128xf32, #tpu.memory_space<vmem>>) target(%dma_start3A_19 : memref<128x128xf32, #tpu.memory_space<hbm>>) target_semaphore(%run_scoped3A : memref<!tpu.dma_semaphore, #tpu.memory_space<semaphore_mem>>)
        %dma_wait3A_20 = arith.constant 0 : i32
        %dma_wait3A_21 = tpu.memref_slice %arg4[%add3A_11, %dma_wait3A_20] : memref<163840x128xf32, #tpu.memory_space<hbm>> -> memref<128x128xf32, #tpu.memory_space<hbm>>
        %dma_wait3A_22 = arith.constant 0 : i32
        %dma_wait3A_23 = tpu.memref_slice %arg4[%add3A_11, %dma_wait3A_22] : memref<163840x128xf32, #tpu.memory_space<hbm>> -> memref<128x128xf32, #tpu.memory_space<hbm>>
        tpu.wait_dma2 semaphore(%run_scoped3A : memref<!tpu.dma_semaphore, #tpu.memory_space<semaphore_mem>>) src(%arg6 : memref<128x128xf32, #tpu.memory_space<vmem>>) dst(%dma_wait3A_23 : memref<128x128xf32, #tpu.memory_space<hbm>>)
        tpu.yield
      }) : () -> ()
    }
    %scan3A_7 = arith.constant 40 : i32
    return
  }
}

module attributes {stable_mosaic.version = 14 : i64} {
  func.func @_knn_body(%arg0: i32, %arg1: i32, %arg2: memref<1x4096x64xf32, #tpu.memory_space<vmem>>, %arg3: memref<1x128x64xf32, #tpu.memory_space<vmem>>, %arg4: memref<64x64xf32, #tpu.memory_space<vmem>>, %arg5: memref<1x128x128xi32, #tpu.memory_space<vmem>>, %arg6: memref<1x128x64xf32, #tpu.memory_space<vmem>>, %arg7: memref<128x4096xf32, #tpu.memory_space<vmem>>, %arg8: memref<4096x1xf32, #tpu.memory_space<vmem>>, %arg9: memref<128x4096xf32, #tpu.memory_space<vmem>>) attributes {dimension_semantics = [#tpu.dimension_semantics<arbitrary>, #tpu.dimension_semantics<arbitrary>], iteration_bounds = array<i64: 2, 32>, scalar_prefetch = 0 : i64, scratch_operands = 3 : i64, tpu.core_type = #tpu.core_type<tc>, window_params = [{transform_indices = @transform_0, window_bounds = array<i64: 1, 4096, 64>}, {transform_indices = @transform_1, window_bounds = array<i64: 1, 128, 64>}, {pipeline_mode = #tpu.pipeline_mode<synchronous>, transform_indices = @transform_2, window_bounds = array<i64: 64, 64>}, {transform_indices = @transform_3, window_bounds = array<i64: 1, 128, 128>}, {transform_indices = @transform_4, window_bounds = array<i64: 1, 128, 64>}]} {
    %get3A = arith.constant 0 : index
    %get3A_0 = arith.constant 0 : index
    %get3A_1 = arith.constant 0 : index
    %get3A_2 = vector.load %arg3[%get3A, %get3A_0, %get3A_1] : memref<1x128x64xf32, #tpu.memory_space<vmem>>, vector<1x128x64xf32>
    %get3A_3 = vector.shape_cast %get3A_2 : vector<1x128x64xf32> to vector<128x64xf32>
    %mul3A = arith.constant 128 : i32
    %mul3A_4 = arith.muli %arg1, %mul3A : i32
    %iota3A = tpu.iota {dimensions = array<i32: 0>} : vector<128x512xi32>
    %add3A = vector.broadcast %mul3A_4 : i32 to vector<128x512xi32>
    %add3A_5 = arith.addi %add3A, %iota3A : vector<128x512xi32>
    %eq3A = arith.constant 0 : i32
    %eq3A_6 = arith.cmpi eq, %arg1, %eq3A : i32
    %convert_element_type3A = arith.extui %eq3A_6 : i1 to i32
    %cond3A = arith.constant 0 : i32
    %cond3A_7 = arith.cmpi ne, %convert_element_type3A, %cond3A : i32
    scf.if %cond3A_7 {
      %get3A_237 = arith.constant 0 : index
      %get3A_238 = arith.constant 0 : index
      %get3A_239 = arith.constant 0 : index
      %get3A_240 = vector.load %arg2[%get3A_237, %get3A_238, %get3A_239] : memref<1x4096x64xf32, #tpu.memory_space<vmem>>, vector<1x512x64xf32>
      %get3A_241 = vector.shape_cast %get3A_240 : vector<1x512x64xf32> to vector<512x64xf32>
      %mul3A_242 = arith.mulf %get3A_241, %get3A_241 : vector<512x64xf32>
      %reduce_sum3A = arith.constant dense<0.000000e+00> : vector<512xf32>
      %reduce_sum3A_243 = vector.multi_reduction <add>, %mul3A_242, %reduce_sum3A [1] : vector<512x64xf32> to vector<512xf32>
      %broadcast_in_dim3A_244 = vector.shape_cast %reduce_sum3A_243 : vector<512xf32> to vector<512x1xf32>
      %swap3A_245 = arith.constant 0 : index
      %swap3A_246 = arith.constant 0 : index
      %swap3A_247 = vector.load %arg8[%swap3A_245, %swap3A_246] : memref<4096x1xf32, #tpu.memory_space<vmem>>, vector<512x1xf32>
      tpu.vector_store %arg8[%swap3A_245, %swap3A_246], %broadcast_in_dim3A_244 {strides = array<i32>} : memref<4096x1xf32, #tpu.memory_space<vmem>>, vector<512x1xf32>,
      %get3A_248 = arith.constant 0 : index
      %get3A_249 = arith.constant 512 : index
      %get3A_250 = arith.constant 0 : index
      %get3A_251 = vector.load %arg2[%get3A_248, %get3A_249, %get3A_250] : memref<1x4096x64xf32, #tpu.memory_space<vmem>>, vector<1x512x64xf32>
      %get3A_252 = vector.shape_cast %get3A_251 : vector<1x512x64xf32> to vector<512x64xf32>
      %mul3A_253 = arith.mulf %get3A_252, %get3A_252 : vector<512x64xf32>
      %reduce_sum3A_254 = arith.constant dense<0.000000e+00> : vector<512xf32>
      %reduce_sum3A_255 = vector.multi_reduction <add>, %mul3A_253, %reduce_sum3A_254 [1] : vector<512x64xf32> to vector<512xf32>
      %broadcast_in_dim3A_256 = vector.shape_cast %reduce_sum3A_255 : vector<512xf32> to vector<512x1xf32>
      %swap3A_257 = arith.constant 512 : index
      %swap3A_258 = arith.constant 0 : index
      %swap3A_259 = vector.load %arg8[%swap3A_257, %swap3A_258] : memref<4096x1xf32, #tpu.memory_space<vmem>>, vector<512x1xf32>
      tpu.vector_store %arg8[%swap3A_257, %swap3A_258], %broadcast_in_dim3A_256 {strides = array<i32>} : memref<4096x1xf32, #tpu.memory_space<vmem>>, vector<512x1xf32>,
      %get3A_260 = arith.constant 0 : index
      %get3A_261 = arith.constant 1024 : index
      %get3A_262 = arith.constant 0 : index
      %get3A_263 = vector.load %arg2[%get3A_260, %get3A_261, %get3A_262] : memref<1x4096x64xf32, #tpu.memory_space<vmem>>, vector<1x512x64xf32>
      %get3A_264 = vector.shape_cast %get3A_263 : vector<1x512x64xf32> to vector<512x64xf32>
      %mul3A_265 = arith.mulf %get3A_264, %get3A_264 : vector<512x64xf32>
      %reduce_sum3A_266 = arith.constant dense<0.000000e+00> : vector<512xf32>
      %reduce_sum3A_267 = vector.multi_reduction <add>, %mul3A_265, %reduce_sum3A_266 [1] : vector<512x64xf32> to vector<512xf32>
      %broadcast_in_dim3A_268 = vector.shape_cast %reduce_sum3A_267 : vector<512xf32> to vector<512x1xf32>
      %swap3A_269 = arith.constant 1024 : index
      %swap3A_270 = arith.constant 0 : index
      %swap3A_271 = vector.load %arg8[%swap3A_269, %swap3A_270] : memref<4096x1xf32, #tpu.memory_space<vmem>>, vector<512x1xf32>
      tpu.vector_store %arg8[%swap3A_269, %swap3A_270], %broadcast_in_dim3A_268 {strides = array<i32>} : memref<4096x1xf32, #tpu.memory_space<vmem>>, vector<512x1xf32>,
      %get3A_272 = arith.constant 0 : index
      %get3A_273 = arith.constant 1536 : index
      %get3A_274 = arith.constant 0 : index
      %get3A_275 = vector.load %arg2[%get3A_272, %get3A_273, %get3A_274] : memref<1x4096x64xf32, #tpu.memory_space<vmem>>, vector<1x512x64xf32>
      %get3A_276 = vector.shape_cast %get3A_275 : vector<1x512x64xf32> to vector<512x64xf32>
      %mul3A_277 = arith.mulf %get3A_276, %get3A_276 : vector<512x64xf32>
      %reduce_sum3A_278 = arith.constant dense<0.000000e+00> : vector<512xf32>
      %reduce_sum3A_279 = vector.multi_reduction <add>, %mul3A_277, %reduce_sum3A_278 [1] : vector<512x64xf32> to vector<512xf32>
      %broadcast_in_dim3A_280 = vector.shape_cast %reduce_sum3A_279 : vector<512xf32> to vector<512x1xf32>
      %swap3A_281 = arith.constant 1536 : index
      %swap3A_282 = arith.constant 0 : index
      %swap3A_283 = vector.load %arg8[%swap3A_281, %swap3A_282] : memref<4096x1xf32, #tpu.memory_space<vmem>>, vector<512x1xf32>
      tpu.vector_store %arg8[%swap3A_281, %swap3A_282], %broadcast_in_dim3A_280 {strides = array<i32>} : memref<4096x1xf32, #tpu.memory_space<vmem>>, vector<512x1xf32>,
      %get3A_284 = arith.constant 0 : index
      %get3A_285 = arith.constant 2048 : index
      %get3A_286 = arith.constant 0 : index
      %get3A_287 = vector.load %arg2[%get3A_284, %get3A_285, %get3A_286] : memref<1x4096x64xf32, #tpu.memory_space<vmem>>, vector<1x512x64xf32>
      %get3A_288 = vector.shape_cast %get3A_287 : vector<1x512x64xf32> to vector<512x64xf32>
      %mul3A_289 = arith.mulf %get3A_288, %get3A_288 : vector<512x64xf32>
      %reduce_sum3A_290 = arith.constant dense<0.000000e+00> : vector<512xf32>
      %reduce_sum3A_291 = vector.multi_reduction <add>, %mul3A_289, %reduce_sum3A_290 [1] : vector<512x64xf32> to vector<512xf32>
      %broadcast_in_dim3A_292 = vector.shape_cast %reduce_sum3A_291 : vector<512xf32> to vector<512x1xf32>
      %swap3A_293 = arith.constant 2048 : index
      %swap3A_294 = arith.constant 0 : index
      %swap3A_295 = vector.load %arg8[%swap3A_293, %swap3A_294] : memref<4096x1xf32, #tpu.memory_space<vmem>>, vector<512x1xf32>
      tpu.vector_store %arg8[%swap3A_293, %swap3A_294], %broadcast_in_dim3A_292 {strides = array<i32>} : memref<4096x1xf32, #tpu.memory_space<vmem>>, vector<512x1xf32>,
      %get3A_296 = arith.constant 0 : index
      %get3A_297 = arith.constant 2560 : index
      %get3A_298 = arith.constant 0 : index
      %get3A_299 = vector.load %arg2[%get3A_296, %get3A_297, %get3A_298] : memref<1x4096x64xf32, #tpu.memory_space<vmem>>, vector<1x512x64xf32>
      %get3A_300 = vector.shape_cast %get3A_299 : vector<1x512x64xf32> to vector<512x64xf32>
      %mul3A_301 = arith.mulf %get3A_300, %get3A_300 : vector<512x64xf32>
      %reduce_sum3A_302 = arith.constant dense<0.000000e+00> : vector<512xf32>
      %reduce_sum3A_303 = vector.multi_reduction <add>, %mul3A_301, %reduce_sum3A_302 [1] : vector<512x64xf32> to vector<512xf32>
      %broadcast_in_dim3A_304 = vector.shape_cast %reduce_sum3A_303 : vector<512xf32> to vector<512x1xf32>
      %swap3A_305 = arith.constant 2560 : index
      %swap3A_306 = arith.constant 0 : index
      %swap3A_307 = vector.load %arg8[%swap3A_305, %swap3A_306] : memref<4096x1xf32, #tpu.memory_space<vmem>>, vector<512x1xf32>
      tpu.vector_store %arg8[%swap3A_305, %swap3A_306], %broadcast_in_dim3A_304 {strides = array<i32>} : memref<4096x1xf32, #tpu.memory_space<vmem>>, vector<512x1xf32>,
      %get3A_308 = arith.constant 0 : index
      %get3A_309 = arith.constant 3072 : index
      %get3A_310 = arith.constant 0 : index
      %get3A_311 = vector.load %arg2[%get3A_308, %get3A_309, %get3A_310] : memref<1x4096x64xf32, #tpu.memory_space<vmem>>, vector<1x512x64xf32>
      %get3A_312 = vector.shape_cast %get3A_311 : vector<1x512x64xf32> to vector<512x64xf32>
      %mul3A_313 = arith.mulf %get3A_312, %get3A_312 : vector<512x64xf32>
      %reduce_sum3A_314 = arith.constant dense<0.000000e+00> : vector<512xf32>
      %reduce_sum3A_315 = vector.multi_reduction <add>, %mul3A_313, %reduce_sum3A_314 [1] : vector<512x64xf32> to vector<512xf32>
      %broadcast_in_dim3A_316 = vector.shape_cast %reduce_sum3A_315 : vector<512xf32> to vector<512x1xf32>
      %swap3A_317 = arith.constant 3072 : index
      %swap3A_318 = arith.constant 0 : index
      %swap3A_319 = vector.load %arg8[%swap3A_317, %swap3A_318] : memref<4096x1xf32, #tpu.memory_space<vmem>>, vector<512x1xf32>
      tpu.vector_store %arg8[%swap3A_317, %swap3A_318], %broadcast_in_dim3A_316 {strides = array<i32>} : memref<4096x1xf32, #tpu.memory_space<vmem>>, vector<512x1xf32>,
      %get3A_320 = arith.constant 0 : index
      %get3A_321 = arith.constant 3584 : index
      %get3A_322 = arith.constant 0 : index
      %get3A_323 = vector.load %arg2[%get3A_320, %get3A_321, %get3A_322] : memref<1x4096x64xf32, #tpu.memory_space<vmem>>, vector<1x512x64xf32>
      %get3A_324 = vector.shape_cast %get3A_323 : vector<1x512x64xf32> to vector<512x64xf32>
      %mul3A_325 = arith.mulf %get3A_324, %get3A_324 : vector<512x64xf32>
      %reduce_sum3A_326 = arith.constant dense<0.000000e+00> : vector<512xf32>
      %reduce_sum3A_327 = vector.multi_reduction <add>, %mul3A_325, %reduce_sum3A_326 [1] : vector<512x64xf32> to vector<512xf32>
      %broadcast_in_dim3A_328 = vector.shape_cast %reduce_sum3A_327 : vector<512xf32> to vector<512x1xf32>
      %swap3A_329 = arith.constant 3584 : index
      %swap3A_330 = arith.constant 0 : index
      %swap3A_331 = vector.load %arg8[%swap3A_329, %swap3A_330] : memref<4096x1xf32, #tpu.memory_space<vmem>>, vector<512x1xf32>
      tpu.vector_store %arg8[%swap3A_329, %swap3A_330], %broadcast_in_dim3A_328 {strides = array<i32>} : memref<4096x1xf32, #tpu.memory_space<vmem>>, vector<512x1xf32>,
    } else {
    }
    %eq3A_8 = arith.constant 0 : i32
    %eq3A_9 = arith.cmpi eq, %arg0, %eq3A_8 : i32
    %eq3A_10 = arith.constant 0 : i32
    %eq3A_11 = arith.cmpi eq, %arg1, %eq3A_10 : i32
    %and3A = arith.andi %eq3A_9, %eq3A_11 : i1
    %convert_element_type3A_12 = arith.extui %and3A : i1 to i32
    %cond3A_13 = arith.constant 0 : i32
    %cond3A_14 = arith.cmpi ne, %convert_element_type3A_12, %cond3A_13 : i32
    scf.if %cond3A_14 {
      %iota3A_237 = tpu.iota {dimensions = array<i32: 1>} : vector<128x512xi32>
      %convert_element_type3A_238 = arith.sitofp %iota3A_237 : vector<128x512xi32> to vector<128x512xf32>
      %add3A_239 = arith.constant 0.000000e+00 : f32
      %add3A_240 = vector.broadcast %add3A_239 : f32 to vector<128x512xf32>
      %add3A_241 = arith.addf %add3A_240, %convert_element_type3A_238 : vector<128x512xf32>
      %swap3A_242 = arith.constant 0 : index
      %swap3A_243 = arith.constant 0 : index
      %swap3A_244 = vector.load %arg9[%swap3A_242, %swap3A_243] : memref<128x4096xf32, #tpu.memory_space<vmem>>, vector<128x512xf32>
      tpu.vector_store %arg9[%swap3A_242, %swap3A_243], %add3A_241 {strides = array<i32>} : memref<128x4096xf32, #tpu.memory_space<vmem>>, vector<128x512xf32>,
      %iota3A_245 = tpu.iota {dimensions = array<i32: 1>} : vector<128x512xi32>
      %convert_element_type3A_246 = arith.sitofp %iota3A_245 : vector<128x512xi32> to vector<128x512xf32>
      %add3A_247 = arith.constant 5.120000e+02 : f32
      %add3A_248 = vector.broadcast %add3A_247 : f32 to vector<128x512xf32>
      %add3A_249 = arith.addf %add3A_248, %convert_element_type3A_246 : vector<128x512xf32>
      %swap3A_250 = arith.constant 0 : index
      %swap3A_251 = arith.constant 512 : index
      %swap3A_252 = vector.load %arg9[%swap3A_250, %swap3A_251] : memref<128x4096xf32, #tpu.memory_space<vmem>>, vector<128x512xf32>
      tpu.vector_store %arg9[%swap3A_250, %swap3A_251], %add3A_249 {strides = array<i32>} : memref<128x4096xf32, #tpu.memory_space<vmem>>, vector<128x512xf32>,
      %iota3A_253 = tpu.iota {dimensions = array<i32: 1>} : vector<128x512xi32>
      %convert_element_type3A_254 = arith.sitofp %iota3A_253 : vector<128x512xi32> to vector<128x512xf32>
      %add3A_255 = arith.constant 1.024000e+03 : f32
      %add3A_256 = vector.broadcast %add3A_255 : f32 to vector<128x512xf32>
      %add3A_257 = arith.addf %add3A_256, %convert_element_type3A_254 : vector<128x512xf32>
      %swap3A_258 = arith.constant 0 : index
      %swap3A_259 = arith.constant 1024 : index
      %swap3A_260 = vector.load %arg9[%swap3A_258, %swap3A_259] : memref<128x4096xf32, #tpu.memory_space<vmem>>, vector<128x512xf32>
      tpu.vector_store %arg9[%swap3A_258, %swap3A_259], %add3A_257 {strides = array<i32>} : memref<128x4096xf32, #tpu.memory_space<vmem>>, vector<128x512xf32>,
      %iota3A_261 = tpu.iota {dimensions = array<i32: 1>} : vector<128x512xi32>
      %convert_element_type3A_262 = arith.sitofp %iota3A_261 : vector<128x512xi32> to vector<128x512xf32>
      %add3A_263 = arith.constant 1.536000e+03 : f32
      %add3A_264 = vector.broadcast %add3A_263 : f32 to vector<128x512xf32>
      %add3A_265 = arith.addf %add3A_264, %convert_element_type3A_262 : vector<128x512xf32>
      %swap3A_266 = arith.constant 0 : index
      %swap3A_267 = arith.constant 1536 : index
      %swap3A_268 = vector.load %arg9[%swap3A_266, %swap3A_267] : memref<128x4096xf32, #tpu.memory_space<vmem>>, vector<128x512xf32>
      tpu.vector_store %arg9[%swap3A_266, %swap3A_267], %add3A_265 {strides = array<i32>} : memref<128x4096xf32, #tpu.memory_space<vmem>>, vector<128x512xf32>,
      %iota3A_269 = tpu.iota {dimensions = array<i32: 1>} : vector<128x512xi32>
      %convert_element_type3A_270 = arith.sitofp %iota3A_269 : vector<128x512xi32> to vector<128x512xf32>
      %add3A_271 = arith.constant 2.048000e+03 : f32
      %add3A_272 = vector.broadcast %add3A_271 : f32 to vector<128x512xf32>
      %add3A_273 = arith.addf %add3A_272, %convert_element_type3A_270 : vector<128x512xf32>
      %swap3A_274 = arith.constant 0 : index
      %swap3A_275 = arith.constant 2048 : index
      %swap3A_276 = vector.load %arg9[%swap3A_274, %swap3A_275] : memref<128x4096xf32, #tpu.memory_space<vmem>>, vector<128x512xf32>
      tpu.vector_store %arg9[%swap3A_274, %swap3A_275], %add3A_273 {strides = array<i32>} : memref<128x4096xf32, #tpu.memory_space<vmem>>, vector<128x512xf32>,
      %iota3A_277 = tpu.iota {dimensions = array<i32: 1>} : vector<128x512xi32>
      %convert_element_type3A_278 = arith.sitofp %iota3A_277 : vector<128x512xi32> to vector<128x512xf32>
      %add3A_279 = arith.constant 2.560000e+03 : f32
      %add3A_280 = vector.broadcast %add3A_279 : f32 to vector<128x512xf32>
      %add3A_281 = arith.addf %add3A_280, %convert_element_type3A_278 : vector<128x512xf32>
      %swap3A_282 = arith.constant 0 : index
      %swap3A_283 = arith.constant 2560 : index
      %swap3A_284 = vector.load %arg9[%swap3A_282, %swap3A_283] : memref<128x4096xf32, #tpu.memory_space<vmem>>, vector<128x512xf32>
      tpu.vector_store %arg9[%swap3A_282, %swap3A_283], %add3A_281 {strides = array<i32>} : memref<128x4096xf32, #tpu.memory_space<vmem>>, vector<128x512xf32>,
      %iota3A_285 = tpu.iota {dimensions = array<i32: 1>} : vector<128x512xi32>
      %convert_element_type3A_286 = arith.sitofp %iota3A_285 : vector<128x512xi32> to vector<128x512xf32>
      %add3A_287 = arith.constant 3.072000e+03 : f32
      %add3A_288 = vector.broadcast %add3A_287 : f32 to vector<128x512xf32>
      %add3A_289 = arith.addf %add3A_288, %convert_element_type3A_286 : vector<128x512xf32>
      %swap3A_290 = arith.constant 0 : index
      %swap3A_291 = arith.constant 3072 : index
      %swap3A_292 = vector.load %arg9[%swap3A_290, %swap3A_291] : memref<128x4096xf32, #tpu.memory_space<vmem>>, vector<128x512xf32>
      tpu.vector_store %arg9[%swap3A_290, %swap3A_291], %add3A_289 {strides = array<i32>} : memref<128x4096xf32, #tpu.memory_space<vmem>>, vector<128x512xf32>,
      %iota3A_293 = tpu.iota {dimensions = array<i32: 1>} : vector<128x512xi32>
      %convert_element_type3A_294 = arith.sitofp %iota3A_293 : vector<128x512xi32> to vector<128x512xf32>
      %add3A_295 = arith.constant 3.584000e+03 : f32
      %add3A_296 = vector.broadcast %add3A_295 : f32 to vector<128x512xf32>
      %add3A_297 = arith.addf %add3A_296, %convert_element_type3A_294 : vector<128x512xf32>
      %swap3A_298 = arith.constant 0 : index
      %swap3A_299 = arith.constant 3584 : index
      %swap3A_300 = vector.load %arg9[%swap3A_298, %swap3A_299] : memref<128x4096xf32, #tpu.memory_space<vmem>>, vector<128x512xf32>
      tpu.vector_store %arg9[%swap3A_298, %swap3A_299], %add3A_297 {strides = array<i32>} : memref<128x4096xf32, #tpu.memory_space<vmem>>, vector<128x512xf32>,
    } else {
    }
    %mul3A_15 = arith.constant -2.000000e+00 : f32
    %mul3A_16 = vector.broadcast %mul3A_15 : f32 to vector<128x64xf32>
    %mul3A_17 = arith.mulf %mul3A_16, %get3A_3 : vector<128x64xf32>
    %broadcast_in_dim3A = arith.constant 1.000000e+00 : f32
    %broadcast_in_dim3A_18 = vector.broadcast %broadcast_in_dim3A : f32 to vector<128x1xf32>
    %get3A_19 = arith.constant 0 : index
    %get3A_20 = arith.constant 0 : index
    %get3A_21 = arith.constant 0 : index
    %get3A_22 = vector.load %arg2[%get3A_19, %get3A_20, %get3A_21] : memref<1x4096x64xf32, #tpu.memory_space<vmem>>, vector<1x512x64xf32>
    %get3A_23 = vector.shape_cast %get3A_22 : vector<1x512x64xf32> to vector<512x64xf32>
    %get3A_24 = arith.constant 0 : index
    %get3A_25 = arith.constant 0 : index
    %get3A_26 = vector.load %arg8[%get3A_24, %get3A_25] : memref<4096x1xf32, #tpu.memory_space<vmem>>, vector<512x1xf32>
    %dot_general3A = arith.constant dense<0.000000e+00> : vector<128x512xf32>
    %dot_general3A_27 = tpu.matmul %mul3A_17, %get3A_23, %dot_general3A {dimension_numbers = #tpu.dot_dimension_numbers<[1], [1], [0], [0], [0, 0, 1, 0], [], []>, transpose_lhs_hint = false} : vector<128x64xf32>, vector<512x64xf32>, vector<128x512xf32> -> vector<128x512xf32>
    %dot_general3A_28 = arith.constant dense<0.000000e+00> : vector<128x512xf32>
    %dot_general3A_29 = tpu.matmul %broadcast_in_dim3A_18, %get3A_26, %dot_general3A_28 {dimension_numbers = #tpu.dot_dimension_numbers<[1], [1], [0], [0], [0, 0, 1, 0], [], []>, precision = #tpu.contract_precision<fp32>, transpose_lhs_hint = false} : vector<128x1xf32>, vector<512x1xf32>, vector<128x512xf32> -> vector<128x512xf32>
    %add3A_30 = arith.addf %dot_general3A_29, %dot_general3A_27 : vector<128x512xf32>
    %iota3A_31 = tpu.iota {dimensions = array<i32: 1>} : vector<128x512xi32>
    %add3A_32 = arith.constant 0 : i32
    %add3A_33 = vector.broadcast %add3A_32 : i32 to vector<128x512xi32>
    %add3A_34 = arith.addi %add3A_33, %iota3A_31 : vector<128x512xi32>
    %eq3A_35 = arith.cmpi eq, %add3A_34, %add3A_5 : vector<128x512xi32>
    %jit3A = arith.constant 3.000000e+38 : f32
    %broadcast_in_dim3A_36 = vector.broadcast %jit3A : f32 to vector<128x512xf32>
    %select_n3A = arith.select %eq3A_35, %broadcast_in_dim3A_36, %add3A_30 : vector<128x512xi1>, vector<128x512xf32>
    %swap3A = arith.constant 0 : index
    %swap3A_37 = arith.constant 0 : index
    %swap3A_38 = vector.load %arg7[%swap3A, %swap3A_37] : memref<128x4096xf32, #tpu.memory_space<vmem>>, vector<128x512xf32>
    tpu.vector_store %arg7[%swap3A, %swap3A_37], %select_n3A {strides = array<i32>} : memref<128x4096xf32, #tpu.memory_space<vmem>>, vector<128x512xf32>,
    %get3A_39 = arith.constant 0 : index
    %get3A_40 = arith.constant 512 : index
    %get3A_41 = arith.constant 0 : index
    %get3A_42 = vector.load %arg2[%get3A_39, %get3A_40, %get3A_41] : memref<1x4096x64xf32, #tpu.memory_space<vmem>>, vector<1x512x64xf32>
    %get3A_43 = vector.shape_cast %get3A_42 : vector<1x512x64xf32> to vector<512x64xf32>
    %get3A_44 = arith.constant 512 : index
    %get3A_45 = arith.constant 0 : index
    %get3A_46 = vector.load %arg8[%get3A_44, %get3A_45] : memref<4096x1xf32, #tpu.memory_space<vmem>>, vector<512x1xf32>
    %dot_general3A_47 = arith.constant dense<0.000000e+00> : vector<128x512xf32>
    %dot_general3A_48 = tpu.matmul %mul3A_17, %get3A_43, %dot_general3A_47 {dimension_numbers = #tpu.dot_dimension_numbers<[1], [1], [0], [0], [0, 0, 1, 0], [], []>, transpose_lhs_hint = false} : vector<128x64xf32>, vector<512x64xf32>, vector<128x512xf32> -> vector<128x512xf32>
    %dot_general3A_49 = arith.constant dense<0.000000e+00> : vector<128x512xf32>
    %dot_general3A_50 = tpu.matmul %broadcast_in_dim3A_18, %get3A_46, %dot_general3A_49 {dimension_numbers = #tpu.dot_dimension_numbers<[1], [1], [0], [0], [0, 0, 1, 0], [], []>, precision = #tpu.contract_precision<fp32>, transpose_lhs_hint = false} : vector<128x1xf32>, vector<512x1xf32>, vector<128x512xf32> -> vector<128x512xf32>
    %add3A_51 = arith.addf %dot_general3A_50, %dot_general3A_48 : vector<128x512xf32>
    %iota3A_52 = tpu.iota {dimensions = array<i32: 1>} : vector<128x512xi32>
    %add3A_53 = arith.constant 512 : i32
    %add3A_54 = vector.broadcast %add3A_53 : i32 to vector<128x512xi32>
    %add3A_55 = arith.addi %add3A_54, %iota3A_52 : vector<128x512xi32>
    %eq3A_56 = arith.cmpi eq, %add3A_55, %add3A_5 : vector<128x512xi32>
    %jit3A_57 = arith.constant 3.000000e+38 : f32
    %broadcast_in_dim3A_58 = vector.broadcast %jit3A_57 : f32 to vector<128x512xf32>
    %select_n3A_59 = arith.select %eq3A_56, %broadcast_in_dim3A_58, %add3A_51 : vector<128x512xi1>, vector<128x512xf32>
    %swap3A_60 = arith.constant 0 : index
    %swap3A_61 = arith.constant 512 : index
    %swap3A_62 = vector.load %arg7[%swap3A_60, %swap3A_61] : memref<128x4096xf32, #tpu.memory_space<vmem>>, vector<128x512xf32>
    tpu.vector_store %arg7[%swap3A_60, %swap3A_61], %select_n3A_59 {strides = array<i32>} : memref<128x4096xf32, #tpu.memory_space<vmem>>, vector<128x512xf32>,
    %get3A_63 = arith.constant 0 : index
    %get3A_64 = arith.constant 1024 : index
    %get3A_65 = arith.constant 0 : index
    %get3A_66 = vector.load %arg2[%get3A_63, %get3A_64, %get3A_65] : memref<1x4096x64xf32, #tpu.memory_space<vmem>>, vector<1x512x64xf32>
    %get3A_67 = vector.shape_cast %get3A_66 : vector<1x512x64xf32> to vector<512x64xf32>
    %get3A_68 = arith.constant 1024 : index
    %get3A_69 = arith.constant 0 : index
    %get3A_70 = vector.load %arg8[%get3A_68, %get3A_69] : memref<4096x1xf32, #tpu.memory_space<vmem>>, vector<512x1xf32>
    %dot_general3A_71 = arith.constant dense<0.000000e+00> : vector<128x512xf32>
    %dot_general3A_72 = tpu.matmul %mul3A_17, %get3A_67, %dot_general3A_71 {dimension_numbers = #tpu.dot_dimension_numbers<[1], [1], [0], [0], [0, 0, 1, 0], [], []>, transpose_lhs_hint = false} : vector<128x64xf32>, vector<512x64xf32>, vector<128x512xf32> -> vector<128x512xf32>
    %dot_general3A_73 = arith.constant dense<0.000000e+00> : vector<128x512xf32>
    %dot_general3A_74 = tpu.matmul %broadcast_in_dim3A_18, %get3A_70, %dot_general3A_73 {dimension_numbers = #tpu.dot_dimension_numbers<[1], [1], [0], [0], [0, 0, 1, 0], [], []>, precision = #tpu.contract_precision<fp32>, transpose_lhs_hint = false} : vector<128x1xf32>, vector<512x1xf32>, vector<128x512xf32> -> vector<128x512xf32>
    %add3A_75 = arith.addf %dot_general3A_74, %dot_general3A_72 : vector<128x512xf32>
    %iota3A_76 = tpu.iota {dimensions = array<i32: 1>} : vector<128x512xi32>
    %add3A_77 = arith.constant 1024 : i32
    %add3A_78 = vector.broadcast %add3A_77 : i32 to vector<128x512xi32>
    %add3A_79 = arith.addi %add3A_78, %iota3A_76 : vector<128x512xi32>
    %eq3A_80 = arith.cmpi eq, %add3A_79, %add3A_5 : vector<128x512xi32>
    %jit3A_81 = arith.constant 3.000000e+38 : f32
    %broadcast_in_dim3A_82 = vector.broadcast %jit3A_81 : f32 to vector<128x512xf32>
    %select_n3A_83 = arith.select %eq3A_80, %broadcast_in_dim3A_82, %add3A_75 : vector<128x512xi1>, vector<128x512xf32>
    %swap3A_84 = arith.constant 0 : index
    %swap3A_85 = arith.constant 1024 : index
    %swap3A_86 = vector.load %arg7[%swap3A_84, %swap3A_85] : memref<128x4096xf32, #tpu.memory_space<vmem>>, vector<128x512xf32>
    tpu.vector_store %arg7[%swap3A_84, %swap3A_85], %select_n3A_83 {strides = array<i32>} : memref<128x4096xf32, #tpu.memory_space<vmem>>, vector<128x512xf32>,
    %get3A_87 = arith.constant 0 : index
    %get3A_88 = arith.constant 1536 : index
    %get3A_89 = arith.constant 0 : index
    %get3A_90 = vector.load %arg2[%get3A_87, %get3A_88, %get3A_89] : memref<1x4096x64xf32, #tpu.memory_space<vmem>>, vector<1x512x64xf32>
    %get3A_91 = vector.shape_cast %get3A_90 : vector<1x512x64xf32> to vector<512x64xf32>
    %get3A_92 = arith.constant 1536 : index
    %get3A_93 = arith.constant 0 : index
    %get3A_94 = vector.load %arg8[%get3A_92, %get3A_93] : memref<4096x1xf32, #tpu.memory_space<vmem>>, vector<512x1xf32>
    %dot_general3A_95 = arith.constant dense<0.000000e+00> : vector<128x512xf32>
    %dot_general3A_96 = tpu.matmul %mul3A_17, %get3A_91, %dot_general3A_95 {dimension_numbers = #tpu.dot_dimension_numbers<[1], [1], [0], [0], [0, 0, 1, 0], [], []>, transpose_lhs_hint = false} : vector<128x64xf32>, vector<512x64xf32>, vector<128x512xf32> -> vector<128x512xf32>
    %dot_general3A_97 = arith.constant dense<0.000000e+00> : vector<128x512xf32>
    %dot_general3A_98 = tpu.matmul %broadcast_in_dim3A_18, %get3A_94, %dot_general3A_97 {dimension_numbers = #tpu.dot_dimension_numbers<[1], [1], [0], [0], [0, 0, 1, 0], [], []>, precision = #tpu.contract_precision<fp32>, transpose_lhs_hint = false} : vector<128x1xf32>, vector<512x1xf32>, vector<128x512xf32> -> vector<128x512xf32>
    %add3A_99 = arith.addf %dot_general3A_98, %dot_general3A_96 : vector<128x512xf32>
    %iota3A_100 = tpu.iota {dimensions = array<i32: 1>} : vector<128x512xi32>
    %add3A_101 = arith.constant 1536 : i32
    %add3A_102 = vector.broadcast %add3A_101 : i32 to vector<128x512xi32>
    %add3A_103 = arith.addi %add3A_102, %iota3A_100 : vector<128x512xi32>
    %eq3A_104 = arith.cmpi eq, %add3A_103, %add3A_5 : vector<128x512xi32>
    %jit3A_105 = arith.constant 3.000000e+38 : f32
    %broadcast_in_dim3A_106 = vector.broadcast %jit3A_105 : f32 to vector<128x512xf32>
    %select_n3A_107 = arith.select %eq3A_104, %broadcast_in_dim3A_106, %add3A_99 : vector<128x512xi1>, vector<128x512xf32>
    %swap3A_108 = arith.constant 0 : index
    %swap3A_109 = arith.constant 1536 : index
    %swap3A_110 = vector.load %arg7[%swap3A_108, %swap3A_109] : memref<128x4096xf32, #tpu.memory_space<vmem>>, vector<128x512xf32>
    tpu.vector_store %arg7[%swap3A_108, %swap3A_109], %select_n3A_107 {strides = array<i32>} : memref<128x4096xf32, #tpu.memory_space<vmem>>, vector<128x512xf32>,
    %get3A_111 = arith.constant 0 : index
    %get3A_112 = arith.constant 2048 : index
    %get3A_113 = arith.constant 0 : index
    %get3A_114 = vector.load %arg2[%get3A_111, %get3A_112, %get3A_113] : memref<1x4096x64xf32, #tpu.memory_space<vmem>>, vector<1x512x64xf32>
    %get3A_115 = vector.shape_cast %get3A_114 : vector<1x512x64xf32> to vector<512x64xf32>
    %get3A_116 = arith.constant 2048 : index
    %get3A_117 = arith.constant 0 : index
    %get3A_118 = vector.load %arg8[%get3A_116, %get3A_117] : memref<4096x1xf32, #tpu.memory_space<vmem>>, vector<512x1xf32>
    %dot_general3A_119 = arith.constant dense<0.000000e+00> : vector<128x512xf32>
    %dot_general3A_120 = tpu.matmul %mul3A_17, %get3A_115, %dot_general3A_119 {dimension_numbers = #tpu.dot_dimension_numbers<[1], [1], [0], [0], [0, 0, 1, 0], [], []>, transpose_lhs_hint = false} : vector<128x64xf32>, vector<512x64xf32>, vector<128x512xf32> -> vector<128x512xf32>
    %dot_general3A_121 = arith.constant dense<0.000000e+00> : vector<128x512xf32>
    %dot_general3A_122 = tpu.matmul %broadcast_in_dim3A_18, %get3A_118, %dot_general3A_121 {dimension_numbers = #tpu.dot_dimension_numbers<[1], [1], [0], [0], [0, 0, 1, 0], [], []>, precision = #tpu.contract_precision<fp32>, transpose_lhs_hint = false} : vector<128x1xf32>, vector<512x1xf32>, vector<128x512xf32> -> vector<128x512xf32>
    %add3A_123 = arith.addf %dot_general3A_122, %dot_general3A_120 : vector<128x512xf32>
    %iota3A_124 = tpu.iota {dimensions = array<i32: 1>} : vector<128x512xi32>
    %add3A_125 = arith.constant 2048 : i32
    %add3A_126 = vector.broadcast %add3A_125 : i32 to vector<128x512xi32>
    %add3A_127 = arith.addi %add3A_126, %iota3A_124 : vector<128x512xi32>
    %eq3A_128 = arith.cmpi eq, %add3A_127, %add3A_5 : vector<128x512xi32>
    %jit3A_129 = arith.constant 3.000000e+38 : f32
    %broadcast_in_dim3A_130 = vector.broadcast %jit3A_129 : f32 to vector<128x512xf32>
    %select_n3A_131 = arith.select %eq3A_128, %broadcast_in_dim3A_130, %add3A_123 : vector<128x512xi1>, vector<128x512xf32>
    %swap3A_132 = arith.constant 0 : index
    %swap3A_133 = arith.constant 2048 : index
    %swap3A_134 = vector.load %arg7[%swap3A_132, %swap3A_133] : memref<128x4096xf32, #tpu.memory_space<vmem>>, vector<128x512xf32>
    tpu.vector_store %arg7[%swap3A_132, %swap3A_133], %select_n3A_131 {strides = array<i32>} : memref<128x4096xf32, #tpu.memory_space<vmem>>, vector<128x512xf32>,
    %get3A_135 = arith.constant 0 : index
    %get3A_136 = arith.constant 2560 : index
    %get3A_137 = arith.constant 0 : index
    %get3A_138 = vector.load %arg2[%get3A_135, %get3A_136, %get3A_137] : memref<1x4096x64xf32, #tpu.memory_space<vmem>>, vector<1x512x64xf32>
    %get3A_139 = vector.shape_cast %get3A_138 : vector<1x512x64xf32> to vector<512x64xf32>
    %get3A_140 = arith.constant 2560 : index
    %get3A_141 = arith.constant 0 : index
    %get3A_142 = vector.load %arg8[%get3A_140, %get3A_141] : memref<4096x1xf32, #tpu.memory_space<vmem>>, vector<512x1xf32>
    %dot_general3A_143 = arith.constant dense<0.000000e+00> : vector<128x512xf32>
    %dot_general3A_144 = tpu.matmul %mul3A_17, %get3A_139, %dot_general3A_143 {dimension_numbers = #tpu.dot_dimension_numbers<[1], [1], [0], [0], [0, 0, 1, 0], [], []>, transpose_lhs_hint = false} : vector<128x64xf32>, vector<512x64xf32>, vector<128x512xf32> -> vector<128x512xf32>
    %dot_general3A_145 = arith.constant dense<0.000000e+00> : vector<128x512xf32>
    %dot_general3A_146 = tpu.matmul %broadcast_in_dim3A_18, %get3A_142, %dot_general3A_145 {dimension_numbers = #tpu.dot_dimension_numbers<[1], [1], [0], [0], [0, 0, 1, 0], [], []>, precision = #tpu.contract_precision<fp32>, transpose_lhs_hint = false} : vector<128x1xf32>, vector<512x1xf32>, vector<128x512xf32> -> vector<128x512xf32>
    %add3A_147 = arith.addf %dot_general3A_146, %dot_general3A_144 : vector<128x512xf32>
    %iota3A_148 = tpu.iota {dimensions = array<i32: 1>} : vector<128x512xi32>
    %add3A_149 = arith.constant 2560 : i32
    %add3A_150 = vector.broadcast %add3A_149 : i32 to vector<128x512xi32>
    %add3A_151 = arith.addi %add3A_150, %iota3A_148 : vector<128x512xi32>
    %eq3A_152 = arith.cmpi eq, %add3A_151, %add3A_5 : vector<128x512xi32>
    %jit3A_153 = arith.constant 3.000000e+38 : f32
    %broadcast_in_dim3A_154 = vector.broadcast %jit3A_153 : f32 to vector<128x512xf32>
    %select_n3A_155 = arith.select %eq3A_152, %broadcast_in_dim3A_154, %add3A_147 : vector<128x512xi1>, vector<128x512xf32>
    %swap3A_156 = arith.constant 0 : index
    %swap3A_157 = arith.constant 2560 : index
    %swap3A_158 = vector.load %arg7[%swap3A_156, %swap3A_157] : memref<128x4096xf32, #tpu.memory_space<vmem>>, vector<128x512xf32>
    tpu.vector_store %arg7[%swap3A_156, %swap3A_157], %select_n3A_155 {strides = array<i32>} : memref<128x4096xf32, #tpu.memory_space<vmem>>, vector<128x512xf32>,
    %get3A_159 = arith.constant 0 : index
    %get3A_160 = arith.constant 3072 : index
    %get3A_161 = arith.constant 0 : index
    %get3A_162 = vector.load %arg2[%get3A_159, %get3A_160, %get3A_161] : memref<1x4096x64xf32, #tpu.memory_space<vmem>>, vector<1x512x64xf32>
    %get3A_163 = vector.shape_cast %get3A_162 : vector<1x512x64xf32> to vector<512x64xf32>
    %get3A_164 = arith.constant 3072 : index
    %get3A_165 = arith.constant 0 : index
    %get3A_166 = vector.load %arg8[%get3A_164, %get3A_165] : memref<4096x1xf32, #tpu.memory_space<vmem>>, vector<512x1xf32>
    %dot_general3A_167 = arith.constant dense<0.000000e+00> : vector<128x512xf32>
    %dot_general3A_168 = tpu.matmul %mul3A_17, %get3A_163, %dot_general3A_167 {dimension_numbers = #tpu.dot_dimension_numbers<[1], [1], [0], [0], [0, 0, 1, 0], [], []>, transpose_lhs_hint = false} : vector<128x64xf32>, vector<512x64xf32>, vector<128x512xf32> -> vector<128x512xf32>
    %dot_general3A_169 = arith.constant dense<0.000000e+00> : vector<128x512xf32>
    %dot_general3A_170 = tpu.matmul %broadcast_in_dim3A_18, %get3A_166, %dot_general3A_169 {dimension_numbers = #tpu.dot_dimension_numbers<[1], [1], [0], [0], [0, 0, 1, 0], [], []>, precision = #tpu.contract_precision<fp32>, transpose_lhs_hint = false} : vector<128x1xf32>, vector<512x1xf32>, vector<128x512xf32> -> vector<128x512xf32>
    %add3A_171 = arith.addf %dot_general3A_170, %dot_general3A_168 : vector<128x512xf32>
    %iota3A_172 = tpu.iota {dimensions = array<i32: 1>} : vector<128x512xi32>
    %add3A_173 = arith.constant 3072 : i32
    %add3A_174 = vector.broadcast %add3A_173 : i32 to vector<128x512xi32>
    %add3A_175 = arith.addi %add3A_174, %iota3A_172 : vector<128x512xi32>
    %eq3A_176 = arith.cmpi eq, %add3A_175, %add3A_5 : vector<128x512xi32>
    %jit3A_177 = arith.constant 3.000000e+38 : f32
    %broadcast_in_dim3A_178 = vector.broadcast %jit3A_177 : f32 to vector<128x512xf32>
    %select_n3A_179 = arith.select %eq3A_176, %broadcast_in_dim3A_178, %add3A_171 : vector<128x512xi1>, vector<128x512xf32>
    %swap3A_180 = arith.constant 0 : index
    %swap3A_181 = arith.constant 3072 : index
    %swap3A_182 = vector.load %arg7[%swap3A_180, %swap3A_181] : memref<128x4096xf32, #tpu.memory_space<vmem>>, vector<128x512xf32>
    tpu.vector_store %arg7[%swap3A_180, %swap3A_181], %select_n3A_179 {strides = array<i32>} : memref<128x4096xf32, #tpu.memory_space<vmem>>, vector<128x512xf32>,
    %get3A_183 = arith.constant 0 : index
    %get3A_184 = arith.constant 3584 : index
    %get3A_185 = arith.constant 0 : index
    %get3A_186 = vector.load %arg2[%get3A_183, %get3A_184, %get3A_185] : memref<1x4096x64xf32, #tpu.memory_space<vmem>>, vector<1x512x64xf32>
    %get3A_187 = vector.shape_cast %get3A_186 : vector<1x512x64xf32> to vector<512x64xf32>
    %get3A_188 = arith.constant 3584 : index
    %get3A_189 = arith.constant 0 : index
    %get3A_190 = vector.load %arg8[%get3A_188, %get3A_189] : memref<4096x1xf32, #tpu.memory_space<vmem>>, vector<512x1xf32>
    %dot_general3A_191 = arith.constant dense<0.000000e+00> : vector<128x512xf32>
    %dot_general3A_192 = tpu.matmul %mul3A_17, %get3A_187, %dot_general3A_191 {dimension_numbers = #tpu.dot_dimension_numbers<[1], [1], [0], [0], [0, 0, 1, 0], [], []>, transpose_lhs_hint = false} : vector<128x64xf32>, vector<512x64xf32>, vector<128x512xf32> -> vector<128x512xf32>
    %dot_general3A_193 = arith.constant dense<0.000000e+00> : vector<128x512xf32>
    %dot_general3A_194 = tpu.matmul %broadcast_in_dim3A_18, %get3A_190, %dot_general3A_193 {dimension_numbers = #tpu.dot_dimension_numbers<[1], [1], [0], [0], [0, 0, 1, 0], [], []>, precision = #tpu.contract_precision<fp32>, transpose_lhs_hint = false} : vector<128x1xf32>, vector<512x1xf32>, vector<128x512xf32> -> vector<128x512xf32>
    %add3A_195 = arith.addf %dot_general3A_194, %dot_general3A_192 : vector<128x512xf32>
    %iota3A_196 = tpu.iota {dimensions = array<i32: 1>} : vector<128x512xi32>
    %add3A_197 = arith.constant 3584 : i32
    %add3A_198 = vector.broadcast %add3A_197 : i32 to vector<128x512xi32>
    %add3A_199 = arith.addi %add3A_198, %iota3A_196 : vector<128x512xi32>
    %eq3A_200 = arith.cmpi eq, %add3A_199, %add3A_5 : vector<128x512xi32>
    %jit3A_201 = arith.constant 3.000000e+38 : f32
    %broadcast_in_dim3A_202 = vector.broadcast %jit3A_201 : f32 to vector<128x512xf32>
    %select_n3A_203 = arith.select %eq3A_200, %broadcast_in_dim3A_202, %add3A_195 : vector<128x512xi1>, vector<128x512xf32>
    %swap3A_204 = arith.constant 0 : index
    %swap3A_205 = arith.constant 3584 : index
    %swap3A_206 = vector.load %arg7[%swap3A_204, %swap3A_205] : memref<128x4096xf32, #tpu.memory_space<vmem>>, vector<128x512xf32>
    tpu.vector_store %arg7[%swap3A_204, %swap3A_205], %select_n3A_203 {strides = array<i32>} : memref<128x4096xf32, #tpu.memory_space<vmem>>, vector<128x512xf32>,
    %iota3A_207 = tpu.iota {dimensions = array<i32: 1>} : vector<128x128xi32>
    %mul3A_208 = arith.constant 4096 : i32
    %mul3A_209 = arith.muli %arg0, %mul3A_208 : i32
    %broadcast_in_dim3A_210 = arith.constant -1.000000e+00 : f32
    %broadcast_in_dim3A_211 = vector.broadcast %broadcast_in_dim3A_210 : f32 to vector<128x1xf32>
    %broadcast_in_dim3A_212 = arith.constant 0 : i32
    %broadcast_in_dim3A_213 = vector.broadcast %broadcast_in_dim3A_212 : i32 to vector<128x128xi32>
    %scan3A = arith.constant 3.000000e+38 : f32
    %scan3A_214 = arith.constant 0 : i32
    %scan3A_215 = arith.constant 20 : i32
    %scan3A_216 = arith.addi %scan3A_214, %scan3A_215 : i32
    %scan3A_217 = arith.constant 1 : i32
    %scan3A_218:2 = scf.for %scan3A_237 = %scan3A_214 to %scan3A_216 step %scan3A_217 iter_args(%scan3A_238 = %broadcast_in_dim3A_211, %scan3A_239 = %broadcast_in_dim3A_213) -> (vector<128x1xf32>, vector<128x128xi32>)  : i32 {
      %broadcast_in_dim3A_240 = vector.broadcast %scan3A : f32 to vector<128x128xf32>
      %get3A_241 = arith.constant 0 : index
      %get3A_242 = arith.constant 0 : index
      %get3A_243 = vector.load %arg7[%get3A_241, %get3A_242] : memref<128x4096xf32, #tpu.memory_space<vmem>>, vector<128x128xf32>
      %get3A_244 = arith.constant 0 : index
      %get3A_245 = arith.constant 0 : index
      %get3A_246 = vector.load %arg9[%get3A_244, %get3A_245] : memref<128x4096xf32, #tpu.memory_space<vmem>>, vector<128x128xf32>
      %eq3A_247 = vector.broadcast %scan3A_238 : vector<128x1xf32> to vector<128x128xf32>
      %eq3A_248 = arith.cmpf oeq, %get3A_246, %eq3A_247 : vector<128x128xf32>
      %broadcast_in_dim3A_249 = vector.broadcast %scan3A : f32 to vector<128x128xf32>
      %select_n3A_250 = arith.select %eq3A_248, %broadcast_in_dim3A_249, %get3A_243 : vector<128x128xi1>, vector<128x128xf32>
      %swap3A_251 = arith.constant 0 : index
      %swap3A_252 = arith.constant 0 : index
      %swap3A_253 = vector.load %arg7[%swap3A_251, %swap3A_252] : memref<128x4096xf32, #tpu.memory_space<vmem>>, vector<128x128xf32>
      tpu.vector_store %arg7[%swap3A_251, %swap3A_252], %select_n3A_250 {strides = array<i32>} : memref<128x4096xf32, #tpu.memory_space<vmem>>, vector<128x128xf32>,
      %min3A = arith.minimumf %broadcast_in_dim3A_240, %select_n3A_250 : vector<128x128xf32>
      %get3A_254 = arith.constant 0 : index
      %get3A_255 = arith.constant 128 : index
      %get3A_256 = vector.load %arg7[%get3A_254, %get3A_255] : memref<128x4096xf32, #tpu.memory_space<vmem>>, vector<128x128xf32>
      %get3A_257 = arith.constant 0 : index
      %get3A_258 = arith.constant 128 : index
      %get3A_259 = vector.load %arg9[%get3A_257, %get3A_258] : memref<128x4096xf32, #tpu.memory_space<vmem>>, vector<128x128xf32>
      %eq3A_260 = vector.broadcast %scan3A_238 : vector<128x1xf32> to vector<128x128xf32>
      %eq3A_261 = arith.cmpf oeq, %get3A_259, %eq3A_260 : vector<128x128xf32>
      %broadcast_in_dim3A_262 = vector.broadcast %scan3A : f32 to vector<128x128xf32>
      %select_n3A_263 = arith.select %eq3A_261, %broadcast_in_dim3A_262, %get3A_256 : vector<128x128xi1>, vector<128x128xf32>
      %swap3A_264 = arith.constant 0 : index
      %swap3A_265 = arith.constant 128 : index
      %swap3A_266 = vector.load %arg7[%swap3A_264, %swap3A_265] : memref<128x4096xf32, #tpu.memory_space<vmem>>, vector<128x128xf32>
      tpu.vector_store %arg7[%swap3A_264, %swap3A_265], %select_n3A_263 {strides = array<i32>} : memref<128x4096xf32, #tpu.memory_space<vmem>>, vector<128x128xf32>,
      %min3A_267 = arith.minimumf %min3A, %select_n3A_263 : vector<128x128xf32>
      %get3A_268 = arith.constant 0 : index
      %get3A_269 = arith.constant 256 : index
      %get3A_270 = vector.load %arg7[%get3A_268, %get3A_269] : memref<128x4096xf32, #tpu.memory_space<vmem>>, vector<128x128xf32>
      %get3A_271 = arith.constant 0 : index
      %get3A_272 = arith.constant 256 : index
      %get3A_273 = vector.load %arg9[%get3A_271, %get3A_272] : memref<128x4096xf32, #tpu.memory_space<vmem>>, vector<128x128xf32>
      %eq3A_274 = vector.broadcast %scan3A_238 : vector<128x1xf32> to vector<128x128xf32>
      %eq3A_275 = arith.cmpf oeq, %get3A_273, %eq3A_274 : vector<128x128xf32>
      %broadcast_in_dim3A_276 = vector.broadcast %scan3A : f32 to vector<128x128xf32>
      %select_n3A_277 = arith.select %eq3A_275, %broadcast_in_dim3A_276, %get3A_270 : vector<128x128xi1>, vector<128x128xf32>
      %swap3A_278 = arith.constant 0 : index
      %swap3A_279 = arith.constant 256 : index
      %swap3A_280 = vector.load %arg7[%swap3A_278, %swap3A_279] : memref<128x4096xf32, #tpu.memory_space<vmem>>, vector<128x128xf32>
      tpu.vector_store %arg7[%swap3A_278, %swap3A_279], %select_n3A_277 {strides = array<i32>} : memref<128x4096xf32, #tpu.memory_space<vmem>>, vector<128x128xf32>,
      %min3A_281 = arith.minimumf %min3A_267, %select_n3A_277 : vector<128x128xf32>
      %get3A_282 = arith.constant 0 : index
      %get3A_283 = arith.constant 384 : index
      %get3A_284 = vector.load %arg7[%get3A_282, %get3A_283] : memref<128x4096xf32, #tpu.memory_space<vmem>>, vector<128x128xf32>
      %get3A_285 = arith.constant 0 : index
      %get3A_286 = arith.constant 384 : index
      %get3A_287 = vector.load %arg9[%get3A_285, %get3A_286] : memref<128x4096xf32, #tpu.memory_space<vmem>>, vector<128x128xf32>
      %eq3A_288 = vector.broadcast %scan3A_238 : vector<128x1xf32> to vector<128x128xf32>
      %eq3A_289 = arith.cmpf oeq, %get3A_287, %eq3A_288 : vector<128x128xf32>
      %broadcast_in_dim3A_290 = vector.broadcast %scan3A : f32 to vector<128x128xf32>
      %select_n3A_291 = arith.select %eq3A_289, %broadcast_in_dim3A_290, %get3A_284 : vector<128x128xi1>, vector<128x128xf32>
      %swap3A_292 = arith.constant 0 : index
      %swap3A_293 = arith.constant 384 : index
      %swap3A_294 = vector.load %arg7[%swap3A_292, %swap3A_293] : memref<128x4096xf32, #tpu.memory_space<vmem>>, vector<128x128xf32>
      tpu.vector_store %arg7[%swap3A_292, %swap3A_293], %select_n3A_291 {strides = array<i32>} : memref<128x4096xf32, #tpu.memory_space<vmem>>, vector<128x128xf32>,
      %min3A_295 = arith.minimumf %min3A_281, %select_n3A_291 : vector<128x128xf32>
      %get3A_296 = arith.constant 0 : index
      %get3A_297 = arith.constant 512 : index
      %get3A_298 = vector.load %arg7[%get3A_296, %get3A_297] : memref<128x4096xf32, #tpu.memory_space<vmem>>, vector<128x128xf32>
      %get3A_299 = arith.constant 0 : index
      %get3A_300 = arith.constant 512 : index
      %get3A_301 = vector.load %arg9[%get3A_299, %get3A_300] : memref<128x4096xf32, #tpu.memory_space<vmem>>, vector<128x128xf32>
      %eq3A_302 = vector.broadcast %scan3A_238 : vector<128x1xf32> to vector<128x128xf32>
      %eq3A_303 = arith.cmpf oeq, %get3A_301, %eq3A_302 : vector<128x128xf32>
      %broadcast_in_dim3A_304 = vector.broadcast %scan3A : f32 to vector<128x128xf32>
      %select_n3A_305 = arith.select %eq3A_303, %broadcast_in_dim3A_304, %get3A_298 : vector<128x128xi1>, vector<128x128xf32>
      %swap3A_306 = arith.constant 0 : index
      %swap3A_307 = arith.constant 512 : index
      %swap3A_308 = vector.load %arg7[%swap3A_306, %swap3A_307] : memref<128x4096xf32, #tpu.memory_space<vmem>>, vector<128x128xf32>
      tpu.vector_store %arg7[%swap3A_306, %swap3A_307], %select_n3A_305 {strides = array<i32>} : memref<128x4096xf32, #tpu.memory_space<vmem>>, vector<128x128xf32>,
      %min3A_309 = arith.minimumf %min3A_295, %select_n3A_305 : vector<128x128xf32>
      %get3A_310 = arith.constant 0 : index
      %get3A_311 = arith.constant 640 : index
      %get3A_312 = vector.load %arg7[%get3A_310, %get3A_311] : memref<128x4096xf32, #tpu.memory_space<vmem>>, vector<128x128xf32>
      %get3A_313 = arith.constant 0 : index
      %get3A_314 = arith.constant 640 : index
      %get3A_315 = vector.load %arg9[%get3A_313, %get3A_314] : memref<128x4096xf32, #tpu.memory_space<vmem>>, vector<128x128xf32>
      %eq3A_316 = vector.broadcast %scan3A_238 : vector<128x1xf32> to vector<128x128xf32>
      %eq3A_317 = arith.cmpf oeq, %get3A_315, %eq3A_316 : vector<128x128xf32>
      %broadcast_in_dim3A_318 = vector.broadcast %scan3A : f32 to vector<128x128xf32>
      %select_n3A_319 = arith.select %eq3A_317, %broadcast_in_dim3A_318, %get3A_312 : vector<128x128xi1>, vector<128x128xf32>
      %swap3A_320 = arith.constant 0 : index
      %swap3A_321 = arith.constant 640 : index
      %swap3A_322 = vector.load %arg7[%swap3A_320, %swap3A_321] : memref<128x4096xf32, #tpu.memory_space<vmem>>, vector<128x128xf32>
      tpu.vector_store %arg7[%swap3A_320, %swap3A_321], %select_n3A_319 {strides = array<i32>} : memref<128x4096xf32, #tpu.memory_space<vmem>>, vector<128x128xf32>,
      %min3A_323 = arith.minimumf %min3A_309, %select_n3A_319 : vector<128x128xf32>
      %get3A_324 = arith.constant 0 : index
      %get3A_325 = arith.constant 768 : index
      %get3A_326 = vector.load %arg7[%get3A_324, %get3A_325] : memref<128x4096xf32, #tpu.memory_space<vmem>>, vector<128x128xf32>
      %get3A_327 = arith.constant 0 : index
      %get3A_328 = arith.constant 768 : index
      %get3A_329 = vector.load %arg9[%get3A_327, %get3A_328] : memref<128x4096xf32, #tpu.memory_space<vmem>>, vector<128x128xf32>
      %eq3A_330 = vector.broadcast %scan3A_238 : vector<128x1xf32> to vector<128x128xf32>
      %eq3A_331 = arith.cmpf oeq, %get3A_329, %eq3A_330 : vector<128x128xf32>
      %broadcast_in_dim3A_332 = vector.broadcast %scan3A : f32 to vector<128x128xf32>
      %select_n3A_333 = arith.select %eq3A_331, %broadcast_in_dim3A_332, %get3A_326 : vector<128x128xi1>, vector<128x128xf32>
      %swap3A_334 = arith.constant 0 : index
      %swap3A_335 = arith.constant 768 : index
      %swap3A_336 = vector.load %arg7[%swap3A_334, %swap3A_335] : memref<128x4096xf32, #tpu.memory_space<vmem>>, vector<128x128xf32>
      tpu.vector_store %arg7[%swap3A_334, %swap3A_335], %select_n3A_333 {strides = array<i32>} : memref<128x4096xf32, #tpu.memory_space<vmem>>, vector<128x128xf32>,
      %min3A_337 = arith.minimumf %min3A_323, %select_n3A_333 : vector<128x128xf32>
      %get3A_338 = arith.constant 0 : index
      %get3A_339 = arith.constant 896 : index
      %get3A_340 = vector.load %arg7[%get3A_338, %get3A_339] : memref<128x4096xf32, #tpu.memory_space<vmem>>, vector<128x128xf32>
      %get3A_341 = arith.constant 0 : index
      %get3A_342 = arith.constant 896 : index
      %get3A_343 = vector.load %arg9[%get3A_341, %get3A_342] : memref<128x4096xf32, #tpu.memory_space<vmem>>, vector<128x128xf32>
      %eq3A_344 = vector.broadcast %scan3A_238 : vector<128x1xf32> to vector<128x128xf32>
      %eq3A_345 = arith.cmpf oeq, %get3A_343, %eq3A_344 : vector<128x128xf32>
      %broadcast_in_dim3A_346 = vector.broadcast %scan3A : f32 to vector<128x128xf32>
      %select_n3A_347 = arith.select %eq3A_345, %broadcast_in_dim3A_346, %get3A_340 : vector<128x128xi1>, vector<128x128xf32>
      %swap3A_348 = arith.constant 0 : index
      %swap3A_349 = arith.constant 896 : index
      %swap3A_350 = vector.load %arg7[%swap3A_348, %swap3A_349] : memref<128x4096xf32, #tpu.memory_space<vmem>>, vector<128x128xf32>
      tpu.vector_store %arg7[%swap3A_348, %swap3A_349], %select_n3A_347 {strides = array<i32>} : memref<128x4096xf32, #tpu.memory_space<vmem>>, vector<128x128xf32>,
      %min3A_351 = arith.minimumf %min3A_337, %select_n3A_347 : vector<128x128xf32>
      %get3A_352 = arith.constant 0 : index
      %get3A_353 = arith.constant 1024 : index
      %get3A_354 = vector.load %arg7[%get3A_352, %get3A_353] : memref<128x4096xf32, #tpu.memory_space<vmem>>, vector<128x128xf32>
      %get3A_355 = arith.constant 0 : index
      %get3A_356 = arith.constant 1024 : index
      %get3A_357 = vector.load %arg9[%get3A_355, %get3A_356] : memref<128x4096xf32, #tpu.memory_space<vmem>>, vector<128x128xf32>
      %eq3A_358 = vector.broadcast %scan3A_238 : vector<128x1xf32> to vector<128x128xf32>
      %eq3A_359 = arith.cmpf oeq, %get3A_357, %eq3A_358 : vector<128x128xf32>
      %broadcast_in_dim3A_360 = vector.broadcast %scan3A : f32 to vector<128x128xf32>
      %select_n3A_361 = arith.select %eq3A_359, %broadcast_in_dim3A_360, %get3A_354 : vector<128x128xi1>, vector<128x128xf32>
      %swap3A_362 = arith.constant 0 : index
      %swap3A_363 = arith.constant 1024 : index
      %swap3A_364 = vector.load %arg7[%swap3A_362, %swap3A_363] : memref<128x4096xf32, #tpu.memory_space<vmem>>, vector<128x128xf32>
      tpu.vector_store %arg7[%swap3A_362, %swap3A_363], %select_n3A_361 {strides = array<i32>} : memref<128x4096xf32, #tpu.memory_space<vmem>>, vector<128x128xf32>,
      %min3A_365 = arith.minimumf %min3A_351, %select_n3A_361 : vector<128x128xf32>
      %get3A_366 = arith.constant 0 : index
      %get3A_367 = arith.constant 1152 : index
      %get3A_368 = vector.load %arg7[%get3A_366, %get3A_367] : memref<128x4096xf32, #tpu.memory_space<vmem>>, vector<128x128xf32>
      %get3A_369 = arith.constant 0 : index
      %get3A_370 = arith.constant 1152 : index
      %get3A_371 = vector.load %arg9[%get3A_369, %get3A_370] : memref<128x4096xf32, #tpu.memory_space<vmem>>, vector<128x128xf32>
      %eq3A_372 = vector.broadcast %scan3A_238 : vector<128x1xf32> to vector<128x128xf32>
      %eq3A_373 = arith.cmpf oeq, %get3A_371, %eq3A_372 : vector<128x128xf32>
      %broadcast_in_dim3A_374 = vector.broadcast %scan3A : f32 to vector<128x128xf32>
      %select_n3A_375 = arith.select %eq3A_373, %broadcast_in_dim3A_374, %get3A_368 : vector<128x128xi1>, vector<128x128xf32>
      %swap3A_376 = arith.constant 0 : index
      %swap3A_377 = arith.constant 1152 : index
      %swap3A_378 = vector.load %arg7[%swap3A_376, %swap3A_377] : memref<128x4096xf32, #tpu.memory_space<vmem>>, vector<128x128xf32>
      tpu.vector_store %arg7[%swap3A_376, %swap3A_377], %select_n3A_375 {strides = array<i32>} : memref<128x4096xf32, #tpu.memory_space<vmem>>, vector<128x128xf32>,
      %min3A_379 = arith.minimumf %min3A_365, %select_n3A_375 : vector<128x128xf32>
      %get3A_380 = arith.constant 0 : index
      %get3A_381 = arith.constant 1280 : index
      %get3A_382 = vector.load %arg7[%get3A_380, %get3A_381] : memref<128x4096xf32, #tpu.memory_space<vmem>>, vector<128x128xf32>
      %get3A_383 = arith.constant 0 : index
      %get3A_384 = arith.constant 1280 : index
      %get3A_385 = vector.load %arg9[%get3A_383, %get3A_384] : memref<128x4096xf32, #tpu.memory_space<vmem>>, vector<128x128xf32>
      %eq3A_386 = vector.broadcast %scan3A_238 : vector<128x1xf32> to vector<128x128xf32>
      %eq3A_387 = arith.cmpf oeq, %get3A_385, %eq3A_386 : vector<128x128xf32>
      %broadcast_in_dim3A_388 = vector.broadcast %scan3A : f32 to vector<128x128xf32>
      %select_n3A_389 = arith.select %eq3A_387, %broadcast_in_dim3A_388, %get3A_382 : vector<128x128xi1>, vector<128x128xf32>
      %swap3A_390 = arith.constant 0 : index
      %swap3A_391 = arith.constant 1280 : index
      %swap3A_392 = vector.load %arg7[%swap3A_390, %swap3A_391] : memref<128x4096xf32, #tpu.memory_space<vmem>>, vector<128x128xf32>
      tpu.vector_store %arg7[%swap3A_390, %swap3A_391], %select_n3A_389 {strides = array<i32>} : memref<128x4096xf32, #tpu.memory_space<vmem>>, vector<128x128xf32>,
      %min3A_393 = arith.minimumf %min3A_379, %select_n3A_389 : vector<128x128xf32>
      %get3A_394 = arith.constant 0 : index
      %get3A_395 = arith.constant 1408 : index
      %get3A_396 = vector.load %arg7[%get3A_394, %get3A_395] : memref<128x4096xf32, #tpu.memory_space<vmem>>, vector<128x128xf32>
      %get3A_397 = arith.constant 0 : index
      %get3A_398 = arith.constant 1408 : index
      %get3A_399 = vector.load %arg9[%get3A_397, %get3A_398] : memref<128x4096xf32, #tpu.memory_space<vmem>>, vector<128x128xf32>
      %eq3A_400 = vector.broadcast %scan3A_238 : vector<128x1xf32> to vector<128x128xf32>
      %eq3A_401 = arith.cmpf oeq, %get3A_399, %eq3A_400 : vector<128x128xf32>
      %broadcast_in_dim3A_402 = vector.broadcast %scan3A : f32 to vector<128x128xf32>
      %select_n3A_403 = arith.select %eq3A_401, %broadcast_in_dim3A_402, %get3A_396 : vector<128x128xi1>, vector<128x128xf32>
      %swap3A_404 = arith.constant 0 : index
      %swap3A_405 = arith.constant 1408 : index
      %swap3A_406 = vector.load %arg7[%swap3A_404, %swap3A_405] : memref<128x4096xf32, #tpu.memory_space<vmem>>, vector<128x128xf32>
      tpu.vector_store %arg7[%swap3A_404, %swap3A_405], %select_n3A_403 {strides = array<i32>} : memref<128x4096xf32, #tpu.memory_space<vmem>>, vector<128x128xf32>,
      %min3A_407 = arith.minimumf %min3A_393, %select_n3A_403 : vector<128x128xf32>
      %get3A_408 = arith.constant 0 : index
      %get3A_409 = arith.constant 1536 : index
      %get3A_410 = vector.load %arg7[%get3A_408, %get3A_409] : memref<128x4096xf32, #tpu.memory_space<vmem>>, vector<128x128xf32>
      %get3A_411 = arith.constant 0 : index
      %get3A_412 = arith.constant 1536 : index
      %get3A_413 = vector.load %arg9[%get3A_411, %get3A_412] : memref<128x4096xf32, #tpu.memory_space<vmem>>, vector<128x128xf32>
      %eq3A_414 = vector.broadcast %scan3A_238 : vector<128x1xf32> to vector<128x128xf32>
      %eq3A_415 = arith.cmpf oeq, %get3A_413, %eq3A_414 : vector<128x128xf32>
      %broadcast_in_dim3A_416 = vector.broadcast %scan3A : f32 to vector<128x128xf32>
      %select_n3A_417 = arith.select %eq3A_415, %broadcast_in_dim3A_416, %get3A_410 : vector<128x128xi1>, vector<128x128xf32>
      %swap3A_418 = arith.constant 0 : index
      %swap3A_419 = arith.constant 1536 : index
      %swap3A_420 = vector.load %arg7[%swap3A_418, %swap3A_419] : memref<128x4096xf32, #tpu.memory_space<vmem>>, vector<128x128xf32>
      tpu.vector_store %arg7[%swap3A_418, %swap3A_419], %select_n3A_417 {strides = array<i32>} : memref<128x4096xf32, #tpu.memory_space<vmem>>, vector<128x128xf32>,
      %min3A_421 = arith.minimumf %min3A_407, %select_n3A_417 : vector<128x128xf32>
      %get3A_422 = arith.constant 0 : index
      %get3A_423 = arith.constant 1664 : index
      %get3A_424 = vector.load %arg7[%get3A_422, %get3A_423] : memref<128x4096xf32, #tpu.memory_space<vmem>>, vector<128x128xf32>
      %get3A_425 = arith.constant 0 : index
      %get3A_426 = arith.constant 1664 : index
      %get3A_427 = vector.load %arg9[%get3A_425, %get3A_426] : memref<128x4096xf32, #tpu.memory_space<vmem>>, vector<128x128xf32>
      %eq3A_428 = vector.broadcast %scan3A_238 : vector<128x1xf32> to vector<128x128xf32>
      %eq3A_429 = arith.cmpf oeq, %get3A_427, %eq3A_428 : vector<128x128xf32>
      %broadcast_in_dim3A_430 = vector.broadcast %scan3A : f32 to vector<128x128xf32>
      %select_n3A_431 = arith.select %eq3A_429, %broadcast_in_dim3A_430, %get3A_424 : vector<128x128xi1>, vector<128x128xf32>
      %swap3A_432 = arith.constant 0 : index
      %swap3A_433 = arith.constant 1664 : index
      %swap3A_434 = vector.load %arg7[%swap3A_432, %swap3A_433] : memref<128x4096xf32, #tpu.memory_space<vmem>>, vector<128x128xf32>
      tpu.vector_store %arg7[%swap3A_432, %swap3A_433], %select_n3A_431 {strides = array<i32>} : memref<128x4096xf32, #tpu.memory_space<vmem>>, vector<128x128xf32>,
      %min3A_435 = arith.minimumf %min3A_421, %select_n3A_431 : vector<128x128xf32>
      %get3A_436 = arith.constant 0 : index
      %get3A_437 = arith.constant 1792 : index
      %get3A_438 = vector.load %arg7[%get3A_436, %get3A_437] : memref<128x4096xf32, #tpu.memory_space<vmem>>, vector<128x128xf32>
      %get3A_439 = arith.constant 0 : index
      %get3A_440 = arith.constant 1792 : index
      %get3A_441 = vector.load %arg9[%get3A_439, %get3A_440] : memref<128x4096xf32, #tpu.memory_space<vmem>>, vector<128x128xf32>
      %eq3A_442 = vector.broadcast %scan3A_238 : vector<128x1xf32> to vector<128x128xf32>
      %eq3A_443 = arith.cmpf oeq, %get3A_441, %eq3A_442 : vector<128x128xf32>
      %broadcast_in_dim3A_444 = vector.broadcast %scan3A : f32 to vector<128x128xf32>
      %select_n3A_445 = arith.select %eq3A_443, %broadcast_in_dim3A_444, %get3A_438 : vector<128x128xi1>, vector<128x128xf32>
      %swap3A_446 = arith.constant 0 : index
      %swap3A_447 = arith.constant 1792 : index
      %swap3A_448 = vector.load %arg7[%swap3A_446, %swap3A_447] : memref<128x4096xf32, #tpu.memory_space<vmem>>, vector<128x128xf32>
      tpu.vector_store %arg7[%swap3A_446, %swap3A_447], %select_n3A_445 {strides = array<i32>} : memref<128x4096xf32, #tpu.memory_space<vmem>>, vector<128x128xf32>,
      %min3A_449 = arith.minimumf %min3A_435, %select_n3A_445 : vector<128x128xf32>
      %get3A_450 = arith.constant 0 : index
      %get3A_451 = arith.constant 1920 : index
      %get3A_452 = vector.load %arg7[%get3A_450, %get3A_451] : memref<128x4096xf32, #tpu.memory_space<vmem>>, vector<128x128xf32>
      %get3A_453 = arith.constant 0 : index
      %get3A_454 = arith.constant 1920 : index
      %get3A_455 = vector.load %arg9[%get3A_453, %get3A_454] : memref<128x4096xf32, #tpu.memory_space<vmem>>, vector<128x128xf32>
      %eq3A_456 = vector.broadcast %scan3A_238 : vector<128x1xf32> to vector<128x128xf32>
      %eq3A_457 = arith.cmpf oeq, %get3A_455, %eq3A_456 : vector<128x128xf32>
      %broadcast_in_dim3A_458 = vector.broadcast %scan3A : f32 to vector<128x128xf32>
      %select_n3A_459 = arith.select %eq3A_457, %broadcast_in_dim3A_458, %get3A_452 : vector<128x128xi1>, vector<128x128xf32>
      %swap3A_460 = arith.constant 0 : index
      %swap3A_461 = arith.constant 1920 : index
      %swap3A_462 = vector.load %arg7[%swap3A_460, %swap3A_461] : memref<128x4096xf32, #tpu.memory_space<vmem>>, vector<128x128xf32>
      tpu.vector_store %arg7[%swap3A_460, %swap3A_461], %select_n3A_459 {strides = array<i32>} : memref<128x4096xf32, #tpu.memory_space<vmem>>, vector<128x128xf32>,
      %min3A_463 = arith.minimumf %min3A_449, %select_n3A_459 : vector<128x128xf32>
      %get3A_464 = arith.constant 0 : index
      %get3A_465 = arith.constant 2048 : index
      %get3A_466 = vector.load %arg7[%get3A_464, %get3A_465] : memref<128x4096xf32, #tpu.memory_space<vmem>>, vector<128x128xf32>
      %get3A_467 = arith.constant 0 : index
      %get3A_468 = arith.constant 2048 : index
      %get3A_469 = vector.load %arg9[%get3A_467, %get3A_468] : memref<128x4096xf32, #tpu.memory_space<vmem>>, vector<128x128xf32>
      %eq3A_470 = vector.broadcast %scan3A_238 : vector<128x1xf32> to vector<128x128xf32>
      %eq3A_471 = arith.cmpf oeq, %get3A_469, %eq3A_470 : vector<128x128xf32>
      %broadcast_in_dim3A_472 = vector.broadcast %scan3A : f32 to vector<128x128xf32>
      %select_n3A_473 = arith.select %eq3A_471, %broadcast_in_dim3A_472, %get3A_466 : vector<128x128xi1>, vector<128x128xf32>
      %swap3A_474 = arith.constant 0 : index
      %swap3A_475 = arith.constant 2048 : index
      %swap3A_476 = vector.load %arg7[%swap3A_474, %swap3A_475] : memref<128x4096xf32, #tpu.memory_space<vmem>>, vector<128x128xf32>
      tpu.vector_store %arg7[%swap3A_474, %swap3A_475], %select_n3A_473 {strides = array<i32>} : memref<128x4096xf32, #tpu.memory_space<vmem>>, vector<128x128xf32>,
      %min3A_477 = arith.minimumf %min3A_463, %select_n3A_473 : vector<128x128xf32>
      %get3A_478 = arith.constant 0 : index
      %get3A_479 = arith.constant 2176 : index
      %get3A_480 = vector.load %arg7[%get3A_478, %get3A_479] : memref<128x4096xf32, #tpu.memory_space<vmem>>, vector<128x128xf32>
      %get3A_481 = arith.constant 0 : index
      %get3A_482 = arith.constant 2176 : index
      %get3A_483 = vector.load %arg9[%get3A_481, %get3A_482] : memref<128x4096xf32, #tpu.memory_space<vmem>>, vector<128x128xf32>
      %eq3A_484 = vector.broadcast %scan3A_238 : vector<128x1xf32> to vector<128x128xf32>
      %eq3A_485 = arith.cmpf oeq, %get3A_483, %eq3A_484 : vector<128x128xf32>
      %broadcast_in_dim3A_486 = vector.broadcast %scan3A : f32 to vector<128x128xf32>
      %select_n3A_487 = arith.select %eq3A_485, %broadcast_in_dim3A_486, %get3A_480 : vector<128x128xi1>, vector<128x128xf32>
      %swap3A_488 = arith.constant 0 : index
      %swap3A_489 = arith.constant 2176 : index
      %swap3A_490 = vector.load %arg7[%swap3A_488, %swap3A_489] : memref<128x4096xf32, #tpu.memory_space<vmem>>, vector<128x128xf32>
      tpu.vector_store %arg7[%swap3A_488, %swap3A_489], %select_n3A_487 {strides = array<i32>} : memref<128x4096xf32, #tpu.memory_space<vmem>>, vector<128x128xf32>,
      %min3A_491 = arith.minimumf %min3A_477, %select_n3A_487 : vector<128x128xf32>
      %get3A_492 = arith.constant 0 : index
      %get3A_493 = arith.constant 2304 : index
      %get3A_494 = vector.load %arg7[%get3A_492, %get3A_493] : memref<128x4096xf32, #tpu.memory_space<vmem>>, vector<128x128xf32>
      %get3A_495 = arith.constant 0 : index
      %get3A_496 = arith.constant 2304 : index
      %get3A_497 = vector.load %arg9[%get3A_495, %get3A_496] : memref<128x4096xf32, #tpu.memory_space<vmem>>, vector<128x128xf32>
      %eq3A_498 = vector.broadcast %scan3A_238 : vector<128x1xf32> to vector<128x128xf32>
      %eq3A_499 = arith.cmpf oeq, %get3A_497, %eq3A_498 : vector<128x128xf32>
      %broadcast_in_dim3A_500 = vector.broadcast %scan3A : f32 to vector<128x128xf32>
      %select_n3A_501 = arith.select %eq3A_499, %broadcast_in_dim3A_500, %get3A_494 : vector<128x128xi1>, vector<128x128xf32>
      %swap3A_502 = arith.constant 0 : index
      %swap3A_503 = arith.constant 2304 : index
      %swap3A_504 = vector.load %arg7[%swap3A_502, %swap3A_503] : memref<128x4096xf32, #tpu.memory_space<vmem>>, vector<128x128xf32>
      tpu.vector_store %arg7[%swap3A_502, %swap3A_503], %select_n3A_501 {strides = array<i32>} : memref<128x4096xf32, #tpu.memory_space<vmem>>, vector<128x128xf32>,
      %min3A_505 = arith.minimumf %min3A_491, %select_n3A_501 : vector<128x128xf32>
      %get3A_506 = arith.constant 0 : index
      %get3A_507 = arith.constant 2432 : index
      %get3A_508 = vector.load %arg7[%get3A_506, %get3A_507] : memref<128x4096xf32, #tpu.memory_space<vmem>>, vector<128x128xf32>
      %get3A_509 = arith.constant 0 : index
      %get3A_510 = arith.constant 2432 : index
      %get3A_511 = vector.load %arg9[%get3A_509, %get3A_510] : memref<128x4096xf32, #tpu.memory_space<vmem>>, vector<128x128xf32>
      %eq3A_512 = vector.broadcast %scan3A_238 : vector<128x1xf32> to vector<128x128xf32>
      %eq3A_513 = arith.cmpf oeq, %get3A_511, %eq3A_512 : vector<128x128xf32>
      %broadcast_in_dim3A_514 = vector.broadcast %scan3A : f32 to vector<128x128xf32>
      %select_n3A_515 = arith.select %eq3A_513, %broadcast_in_dim3A_514, %get3A_508 : vector<128x128xi1>, vector<128x128xf32>
      %swap3A_516 = arith.constant 0 : index
      %swap3A_517 = arith.constant 2432 : index
      %swap3A_518 = vector.load %arg7[%swap3A_516, %swap3A_517] : memref<128x4096xf32, #tpu.memory_space<vmem>>, vector<128x128xf32>
      tpu.vector_store %arg7[%swap3A_516, %swap3A_517], %select_n3A_515 {strides = array<i32>} : memref<128x4096xf32, #tpu.memory_space<vmem>>, vector<128x128xf32>,
      %min3A_519 = arith.minimumf %min3A_505, %select_n3A_515 : vector<128x128xf32>
      %get3A_520 = arith.constant 0 : index
      %get3A_521 = arith.constant 2560 : index
      %get3A_522 = vector.load %arg7[%get3A_520, %get3A_521] : memref<128x4096xf32, #tpu.memory_space<vmem>>, vector<128x128xf32>
      %get3A_523 = arith.constant 0 : index
      %get3A_524 = arith.constant 2560 : index
      %get3A_525 = vector.load %arg9[%get3A_523, %get3A_524] : memref<128x4096xf32, #tpu.memory_space<vmem>>, vector<128x128xf32>
      %eq3A_526 = vector.broadcast %scan3A_238 : vector<128x1xf32> to vector<128x128xf32>
      %eq3A_527 = arith.cmpf oeq, %get3A_525, %eq3A_526 : vector<128x128xf32>
      %broadcast_in_dim3A_528 = vector.broadcast %scan3A : f32 to vector<128x128xf32>
      %select_n3A_529 = arith.select %eq3A_527, %broadcast_in_dim3A_528, %get3A_522 : vector<128x128xi1>, vector<128x128xf32>
      %swap3A_530 = arith.constant 0 : index
      %swap3A_531 = arith.constant 2560 : index
      %swap3A_532 = vector.load %arg7[%swap3A_530, %swap3A_531] : memref<128x4096xf32, #tpu.memory_space<vmem>>, vector<128x128xf32>
      tpu.vector_store %arg7[%swap3A_530, %swap3A_531], %select_n3A_529 {strides = array<i32>} : memref<128x4096xf32, #tpu.memory_space<vmem>>, vector<128x128xf32>,
      %min3A_533 = arith.minimumf %min3A_519, %select_n3A_529 : vector<128x128xf32>
      %get3A_534 = arith.constant 0 : index
      %get3A_535 = arith.constant 2688 : index
      %get3A_536 = vector.load %arg7[%get3A_534, %get3A_535] : memref<128x4096xf32, #tpu.memory_space<vmem>>, vector<128x128xf32>
      %get3A_537 = arith.constant 0 : index
      %get3A_538 = arith.constant 2688 : index
      %get3A_539 = vector.load %arg9[%get3A_537, %get3A_538] : memref<128x4096xf32, #tpu.memory_space<vmem>>, vector<128x128xf32>
      %eq3A_540 = vector.broadcast %scan3A_238 : vector<128x1xf32> to vector<128x128xf32>
      %eq3A_541 = arith.cmpf oeq, %get3A_539, %eq3A_540 : vector<128x128xf32>
      %broadcast_in_dim3A_542 = vector.broadcast %scan3A : f32 to vector<128x128xf32>
      %select_n3A_543 = arith.select %eq3A_541, %broadcast_in_dim3A_542, %get3A_536 : vector<128x128xi1>, vector<128x128xf32>
      %swap3A_544 = arith.constant 0 : index
      %swap3A_545 = arith.constant 2688 : index
      %swap3A_546 = vector.load %arg7[%swap3A_544, %swap3A_545] : memref<128x4096xf32, #tpu.memory_space<vmem>>, vector<128x128xf32>
      tpu.vector_store %arg7[%swap3A_544, %swap3A_545], %select_n3A_543 {strides = array<i32>} : memref<128x4096xf32, #tpu.memory_space<vmem>>, vector<128x128xf32>,
      %min3A_547 = arith.minimumf %min3A_533, %select_n3A_543 : vector<128x128xf32>
      %get3A_548 = arith.constant 0 : index
      %get3A_549 = arith.constant 2816 : index
      %get3A_550 = vector.load %arg7[%get3A_548, %get3A_549] : memref<128x4096xf32, #tpu.memory_space<vmem>>, vector<128x128xf32>
      %get3A_551 = arith.constant 0 : index
      %get3A_552 = arith.constant 2816 : index
      %get3A_553 = vector.load %arg9[%get3A_551, %get3A_552] : memref<128x4096xf32, #tpu.memory_space<vmem>>, vector<128x128xf32>
      %eq3A_554 = vector.broadcast %scan3A_238 : vector<128x1xf32> to vector<128x128xf32>
      %eq3A_555 = arith.cmpf oeq, %get3A_553, %eq3A_554 : vector<128x128xf32>
      %broadcast_in_dim3A_556 = vector.broadcast %scan3A : f32 to vector<128x128xf32>
      %select_n3A_557 = arith.select %eq3A_555, %broadcast_in_dim3A_556, %get3A_550 : vector<128x128xi1>, vector<128x128xf32>
      %swap3A_558 = arith.constant 0 : index
      %swap3A_559 = arith.constant 2816 : index
      %swap3A_560 = vector.load %arg7[%swap3A_558, %swap3A_559] : memref<128x4096xf32, #tpu.memory_space<vmem>>, vector<128x128xf32>
      tpu.vector_store %arg7[%swap3A_558, %swap3A_559], %select_n3A_557 {strides = array<i32>} : memref<128x4096xf32, #tpu.memory_space<vmem>>, vector<128x128xf32>,
      %min3A_561 = arith.minimumf %min3A_547, %select_n3A_557 : vector<128x128xf32>
      %get3A_562 = arith.constant 0 : index
      %get3A_563 = arith.constant 2944 : index
      %get3A_564 = vector.load %arg7[%get3A_562, %get3A_563] : memref<128x4096xf32, #tpu.memory_space<vmem>>, vector<128x128xf32>
      %get3A_565 = arith.constant 0 : index
      %get3A_566 = arith.constant 2944 : index
      %get3A_567 = vector.load %arg9[%get3A_565, %get3A_566] : memref<128x4096xf32, #tpu.memory_space<vmem>>, vector<128x128xf32>
      %eq3A_568 = vector.broadcast %scan3A_238 : vector<128x1xf32> to vector<128x128xf32>
      %eq3A_569 = arith.cmpf oeq, %get3A_567, %eq3A_568 : vector<128x128xf32>
      %broadcast_in_dim3A_570 = vector.broadcast %scan3A : f32 to vector<128x128xf32>
      %select_n3A_571 = arith.select %eq3A_569, %broadcast_in_dim3A_570, %get3A_564 : vector<128x128xi1>, vector<128x128xf32>
      %swap3A_572 = arith.constant 0 : index
      %swap3A_573 = arith.constant 2944 : index
      %swap3A_574 = vector.load %arg7[%swap3A_572, %swap3A_573] : memref<128x4096xf32, #tpu.memory_space<vmem>>, vector<128x128xf32>
      tpu.vector_store %arg7[%swap3A_572, %swap3A_573], %select_n3A_571 {strides = array<i32>} : memref<128x4096xf32, #tpu.memory_space<vmem>>, vector<128x128xf32>,
      %min3A_575 = arith.minimumf %min3A_561, %select_n3A_571 : vector<128x128xf32>
      %get3A_576 = arith.constant 0 : index
      %get3A_577 = arith.constant 3072 : index
      %get3A_578 = vector.load %arg7[%get3A_576, %get3A_577] : memref<128x4096xf32, #tpu.memory_space<vmem>>, vector<128x128xf32>
      %get3A_579 = arith.constant 0 : index
      %get3A_580 = arith.constant 3072 : index
      %get3A_581 = vector.load %arg9[%get3A_579, %get3A_580] : memref<128x4096xf32, #tpu.memory_space<vmem>>, vector<128x128xf32>
      %eq3A_582 = vector.broadcast %scan3A_238 : vector<128x1xf32> to vector<128x128xf32>
      %eq3A_583 = arith.cmpf oeq, %get3A_581, %eq3A_582 : vector<128x128xf32>
      %broadcast_in_dim3A_584 = vector.broadcast %scan3A : f32 to vector<128x128xf32>
      %select_n3A_585 = arith.select %eq3A_583, %broadcast_in_dim3A_584, %get3A_578 : vector<128x128xi1>, vector<128x128xf32>
      %swap3A_586 = arith.constant 0 : index
      %swap3A_587 = arith.constant 3072 : index
      %swap3A_588 = vector.load %arg7[%swap3A_586, %swap3A_587] : memref<128x4096xf32, #tpu.memory_space<vmem>>, vector<128x128xf32>
      tpu.vector_store %arg7[%swap3A_586, %swap3A_587], %select_n3A_585 {strides = array<i32>} : memref<128x4096xf32, #tpu.memory_space<vmem>>, vector<128x128xf32>,
      %min3A_589 = arith.minimumf %min3A_575, %select_n3A_585 : vector<128x128xf32>
      %get3A_590 = arith.constant 0 : index
      %get3A_591 = arith.constant 3200 : index
      %get3A_592 = vector.load %arg7[%get3A_590, %get3A_591] : memref<128x4096xf32, #tpu.memory_space<vmem>>, vector<128x128xf32>
      %get3A_593 = arith.constant 0 : index
      %get3A_594 = arith.constant 3200 : index
      %get3A_595 = vector.load %arg9[%get3A_593, %get3A_594] : memref<128x4096xf32, #tpu.memory_space<vmem>>, vector<128x128xf32>
      %eq3A_596 = vector.broadcast %scan3A_238 : vector<128x1xf32> to vector<128x128xf32>
      %eq3A_597 = arith.cmpf oeq, %get3A_595, %eq3A_596 : vector<128x128xf32>
      %broadcast_in_dim3A_598 = vector.broadcast %scan3A : f32 to vector<128x128xf32>
      %select_n3A_599 = arith.select %eq3A_597, %broadcast_in_dim3A_598, %get3A_592 : vector<128x128xi1>, vector<128x128xf32>
      %swap3A_600 = arith.constant 0 : index
      %swap3A_601 = arith.constant 3200 : index
      %swap3A_602 = vector.load %arg7[%swap3A_600, %swap3A_601] : memref<128x4096xf32, #tpu.memory_space<vmem>>, vector<128x128xf32>
      tpu.vector_store %arg7[%swap3A_600, %swap3A_601], %select_n3A_599 {strides = array<i32>} : memref<128x4096xf32, #tpu.memory_space<vmem>>, vector<128x128xf32>,
      %min3A_603 = arith.minimumf %min3A_589, %select_n3A_599 : vector<128x128xf32>
      %get3A_604 = arith.constant 0 : index
      %get3A_605 = arith.constant 3328 : index
      %get3A_606 = vector.load %arg7[%get3A_604, %get3A_605] : memref<128x4096xf32, #tpu.memory_space<vmem>>, vector<128x128xf32>
      %get3A_607 = arith.constant 0 : index
      %get3A_608 = arith.constant 3328 : index
      %get3A_609 = vector.load %arg9[%get3A_607, %get3A_608] : memref<128x4096xf32, #tpu.memory_space<vmem>>, vector<128x128xf32>
      %eq3A_610 = vector.broadcast %scan3A_238 : vector<128x1xf32> to vector<128x128xf32>
      %eq3A_611 = arith.cmpf oeq, %get3A_609, %eq3A_610 : vector<128x128xf32>
      %broadcast_in_dim3A_612 = vector.broadcast %scan3A : f32 to vector<128x128xf32>
      %select_n3A_613 = arith.select %eq3A_611, %broadcast_in_dim3A_612, %get3A_606 : vector<128x128xi1>, vector<128x128xf32>
      %swap3A_614 = arith.constant 0 : index
      %swap3A_615 = arith.constant 3328 : index
      %swap3A_616 = vector.load %arg7[%swap3A_614, %swap3A_615] : memref<128x4096xf32, #tpu.memory_space<vmem>>, vector<128x128xf32>
      tpu.vector_store %arg7[%swap3A_614, %swap3A_615], %select_n3A_613 {strides = array<i32>} : memref<128x4096xf32, #tpu.memory_space<vmem>>, vector<128x128xf32>,
      %min3A_617 = arith.minimumf %min3A_603, %select_n3A_613 : vector<128x128xf32>
      %get3A_618 = arith.constant 0 : index
      %get3A_619 = arith.constant 3456 : index
      %get3A_620 = vector.load %arg7[%get3A_618, %get3A_619] : memref<128x4096xf32, #tpu.memory_space<vmem>>, vector<128x128xf32>
      %get3A_621 = arith.constant 0 : index
      %get3A_622 = arith.constant 3456 : index
      %get3A_623 = vector.load %arg9[%get3A_621, %get3A_622] : memref<128x4096xf32, #tpu.memory_space<vmem>>, vector<128x128xf32>
      %eq3A_624 = vector.broadcast %scan3A_238 : vector<128x1xf32> to vector<128x128xf32>
      %eq3A_625 = arith.cmpf oeq, %get3A_623, %eq3A_624 : vector<128x128xf32>
      %broadcast_in_dim3A_626 = vector.broadcast %scan3A : f32 to vector<128x128xf32>
      %select_n3A_627 = arith.select %eq3A_625, %broadcast_in_dim3A_626, %get3A_620 : vector<128x128xi1>, vector<128x128xf32>
      %swap3A_628 = arith.constant 0 : index
      %swap3A_629 = arith.constant 3456 : index
      %swap3A_630 = vector.load %arg7[%swap3A_628, %swap3A_629] : memref<128x4096xf32, #tpu.memory_space<vmem>>, vector<128x128xf32>
      tpu.vector_store %arg7[%swap3A_628, %swap3A_629], %select_n3A_627 {strides = array<i32>} : memref<128x4096xf32, #tpu.memory_space<vmem>>, vector<128x128xf32>,
      %min3A_631 = arith.minimumf %min3A_617, %select_n3A_627 : vector<128x128xf32>
      %get3A_632 = arith.constant 0 : index
      %get3A_633 = arith.constant 3584 : index
      %get3A_634 = vector.load %arg7[%get3A_632, %get3A_633] : memref<128x4096xf32, #tpu.memory_space<vmem>>, vector<128x128xf32>
      %get3A_635 = arith.constant 0 : index
      %get3A_636 = arith.constant 3584 : index
      %get3A_637 = vector.load %arg9[%get3A_635, %get3A_636] : memref<128x4096xf32, #tpu.memory_space<vmem>>, vector<128x128xf32>
      %eq3A_638 = vector.broadcast %scan3A_238 : vector<128x1xf32> to vector<128x128xf32>
      %eq3A_639 = arith.cmpf oeq, %get3A_637, %eq3A_638 : vector<128x128xf32>
      %broadcast_in_dim3A_640 = vector.broadcast %scan3A : f32 to vector<128x128xf32>
      %select_n3A_641 = arith.select %eq3A_639, %broadcast_in_dim3A_640, %get3A_634 : vector<128x128xi1>, vector<128x128xf32>
      %swap3A_642 = arith.constant 0 : index
      %swap3A_643 = arith.constant 3584 : index
      %swap3A_644 = vector.load %arg7[%swap3A_642, %swap3A_643] : memref<128x4096xf32, #tpu.memory_space<vmem>>, vector<128x128xf32>
      tpu.vector_store %arg7[%swap3A_642, %swap3A_643], %select_n3A_641 {strides = array<i32>} : memref<128x4096xf32, #tpu.memory_space<vmem>>, vector<128x128xf32>,
      %min3A_645 = arith.minimumf %min3A_631, %select_n3A_641 : vector<128x128xf32>
      %get3A_646 = arith.constant 0 : index
      %get3A_647 = arith.constant 3712 : index
      %get3A_648 = vector.load %arg7[%get3A_646, %get3A_647] : memref<128x4096xf32, #tpu.memory_space<vmem>>, vector<128x128xf32>
      %get3A_649 = arith.constant 0 : index
      %get3A_650 = arith.constant 3712 : index
      %get3A_651 = vector.load %arg9[%get3A_649, %get3A_650] : memref<128x4096xf32, #tpu.memory_space<vmem>>, vector<128x128xf32>
      %eq3A_652 = vector.broadcast %scan3A_238 : vector<128x1xf32> to vector<128x128xf32>
      %eq3A_653 = arith.cmpf oeq, %get3A_651, %eq3A_652 : vector<128x128xf32>
      %broadcast_in_dim3A_654 = vector.broadcast %scan3A : f32 to vector<128x128xf32>
      %select_n3A_655 = arith.select %eq3A_653, %broadcast_in_dim3A_654, %get3A_648 : vector<128x128xi1>, vector<128x128xf32>
      %swap3A_656 = arith.constant 0 : index
      %swap3A_657 = arith.constant 3712 : index
      %swap3A_658 = vector.load %arg7[%swap3A_656, %swap3A_657] : memref<128x4096xf32, #tpu.memory_space<vmem>>, vector<128x128xf32>
      tpu.vector_store %arg7[%swap3A_656, %swap3A_657], %select_n3A_655 {strides = array<i32>} : memref<128x4096xf32, #tpu.memory_space<vmem>>, vector<128x128xf32>,
      %min3A_659 = arith.minimumf %min3A_645, %select_n3A_655 : vector<128x128xf32>
      %get3A_660 = arith.constant 0 : index
      %get3A_661 = arith.constant 3840 : index
      %get3A_662 = vector.load %arg7[%get3A_660, %get3A_661] : memref<128x4096xf32, #tpu.memory_space<vmem>>, vector<128x128xf32>
      %get3A_663 = arith.constant 0 : index
      %get3A_664 = arith.constant 3840 : index
      %get3A_665 = vector.load %arg9[%get3A_663, %get3A_664] : memref<128x4096xf32, #tpu.memory_space<vmem>>, vector<128x128xf32>
      %eq3A_666 = vector.broadcast %scan3A_238 : vector<128x1xf32> to vector<128x128xf32>
      %eq3A_667 = arith.cmpf oeq, %get3A_665, %eq3A_666 : vector<128x128xf32>
      %broadcast_in_dim3A_668 = vector.broadcast %scan3A : f32 to vector<128x128xf32>
      %select_n3A_669 = arith.select %eq3A_667, %broadcast_in_dim3A_668, %get3A_662 : vector<128x128xi1>, vector<128x128xf32>
      %swap3A_670 = arith.constant 0 : index
      %swap3A_671 = arith.constant 3840 : index
      %swap3A_672 = vector.load %arg7[%swap3A_670, %swap3A_671] : memref<128x4096xf32, #tpu.memory_space<vmem>>, vector<128x128xf32>
      tpu.vector_store %arg7[%swap3A_670, %swap3A_671], %select_n3A_669 {strides = array<i32>} : memref<128x4096xf32, #tpu.memory_space<vmem>>, vector<128x128xf32>,
      %min3A_673 = arith.minimumf %min3A_659, %select_n3A_669 : vector<128x128xf32>
      %get3A_674 = arith.constant 0 : index
      %get3A_675 = arith.constant 3968 : index
      %get3A_676 = vector.load %arg7[%get3A_674, %get3A_675] : memref<128x4096xf32, #tpu.memory_space<vmem>>, vector<128x128xf32>
      %get3A_677 = arith.constant 0 : index
      %get3A_678 = arith.constant 3968 : index
      %get3A_679 = vector.load %arg9[%get3A_677, %get3A_678] : memref<128x4096xf32, #tpu.memory_space<vmem>>, vector<128x128xf32>
      %eq3A_680 = vector.broadcast %scan3A_238 : vector<128x1xf32> to vector<128x128xf32>
      %eq3A_681 = arith.cmpf oeq, %get3A_679, %eq3A_680 : vector<128x128xf32>
      %broadcast_in_dim3A_682 = vector.broadcast %scan3A : f32 to vector<128x128xf32>
      %select_n3A_683 = arith.select %eq3A_681, %broadcast_in_dim3A_682, %get3A_676 : vector<128x128xi1>, vector<128x128xf32>
      %swap3A_684 = arith.constant 0 : index
      %swap3A_685 = arith.constant 3968 : index
      %swap3A_686 = vector.load %arg7[%swap3A_684, %swap3A_685] : memref<128x4096xf32, #tpu.memory_space<vmem>>, vector<128x128xf32>
      tpu.vector_store %arg7[%swap3A_684, %swap3A_685], %select_n3A_683 {strides = array<i32>} : memref<128x4096xf32, #tpu.memory_space<vmem>>, vector<128x128xf32>,
      %min3A_687 = arith.minimumf %min3A_673, %select_n3A_683 : vector<128x128xf32>
      %reduce_min3A = arith.constant dense<0x7F800000> : vector<128xf32>
      %reduce_min3A_688 = vector.multi_reduction <minimumf>, %min3A_687, %reduce_min3A [1] : vector<128x128xf32> to vector<128xf32>
      %broadcast_in_dim3A_689 = vector.shape_cast %reduce_min3A_688 : vector<128xf32> to vector<128x1xf32>
      %broadcast_in_dim3A_690 = vector.broadcast %scan3A : f32 to vector<128x128xf32>
      %get3A_691 = arith.constant 0 : index
      %get3A_692 = arith.constant 0 : index
      %get3A_693 = vector.load %arg7[%get3A_691, %get3A_692] : memref<128x4096xf32, #tpu.memory_space<vmem>>, vector<128x128xf32>
      %get3A_694 = arith.constant 0 : index
      %get3A_695 = arith.constant 0 : index
      %get3A_696 = vector.load %arg9[%get3A_694, %get3A_695] : memref<128x4096xf32, #tpu.memory_space<vmem>>, vector<128x128xf32>
      %le3A = vector.broadcast %broadcast_in_dim3A_689 : vector<128x1xf32> to vector<128x128xf32>
      %le3A_697 = arith.cmpf ole, %get3A_693, %le3A : vector<128x128xf32>
      %broadcast_in_dim3A_698 = vector.broadcast %scan3A : f32 to vector<128x128xf32>
      %select_n3A_699 = arith.select %le3A_697, %get3A_696, %broadcast_in_dim3A_698 : vector<128x128xi1>, vector<128x128xf32>
      %min3A_700 = arith.minimumf %broadcast_in_dim3A_690, %select_n3A_699 : vector<128x128xf32>
      %get3A_701 = arith.constant 0 : index
      %get3A_702 = arith.constant 128 : index
      %get3A_703 = vector.load %arg7[%get3A_701, %get3A_702] : memref<128x4096xf32, #tpu.memory_space<vmem>>, vector<128x128xf32>
      %get3A_704 = arith.constant 0 : index
      %get3A_705 = arith.constant 128 : index
      %get3A_706 = vector.load %arg9[%get3A_704, %get3A_705] : memref<128x4096xf32, #tpu.memory_space<vmem>>, vector<128x128xf32>
      %le3A_707 = vector.broadcast %broadcast_in_dim3A_689 : vector<128x1xf32> to vector<128x128xf32>
      %le3A_708 = arith.cmpf ole, %get3A_703, %le3A_707 : vector<128x128xf32>
      %broadcast_in_dim3A_709 = vector.broadcast %scan3A : f32 to vector<128x128xf32>
      %select_n3A_710 = arith.select %le3A_708, %get3A_706, %broadcast_in_dim3A_709 : vector<128x128xi1>, vector<128x128xf32>
      %min3A_711 = arith.minimumf %min3A_700, %select_n3A_710 : vector<128x128xf32>
      %get3A_712 = arith.constant 0 : index
      %get3A_713 = arith.constant 256 : index
      %get3A_714 = vector.load %arg7[%get3A_712, %get3A_713] : memref<128x4096xf32, #tpu.memory_space<vmem>>, vector<128x128xf32>
      %get3A_715 = arith.constant 0 : index
      %get3A_716 = arith.constant 256 : index
      %get3A_717 = vector.load %arg9[%get3A_715, %get3A_716] : memref<128x4096xf32, #tpu.memory_space<vmem>>, vector<128x128xf32>
      %le3A_718 = vector.broadcast %broadcast_in_dim3A_689 : vector<128x1xf32> to vector<128x128xf32>
      %le3A_719 = arith.cmpf ole, %get3A_714, %le3A_718 : vector<128x128xf32>
      %broadcast_in_dim3A_720 = vector.broadcast %scan3A : f32 to vector<128x128xf32>
      %select_n3A_721 = arith.select %le3A_719, %get3A_717, %broadcast_in_dim3A_720 : vector<128x128xi1>, vector<128x128xf32>
      %min3A_722 = arith.minimumf %min3A_711, %select_n3A_721 : vector<128x128xf32>
      %get3A_723 = arith.constant 0 : index
      %get3A_724 = arith.constant 384 : index
      %get3A_725 = vector.load %arg7[%get3A_723, %get3A_724] : memref<128x4096xf32, #tpu.memory_space<vmem>>, vector<128x128xf32>
      %get3A_726 = arith.constant 0 : index
      %get3A_727 = arith.constant 384 : index
      %get3A_728 = vector.load %arg9[%get3A_726, %get3A_727] : memref<128x4096xf32, #tpu.memory_space<vmem>>, vector<128x128xf32>
      %le3A_729 = vector.broadcast %broadcast_in_dim3A_689 : vector<128x1xf32> to vector<128x128xf32>
      %le3A_730 = arith.cmpf ole, %get3A_725, %le3A_729 : vector<128x128xf32>
      %broadcast_in_dim3A_731 = vector.broadcast %scan3A : f32 to vector<128x128xf32>
      %select_n3A_732 = arith.select %le3A_730, %get3A_728, %broadcast_in_dim3A_731 : vector<128x128xi1>, vector<128x128xf32>
      %min3A_733 = arith.minimumf %min3A_722, %select_n3A_732 : vector<128x128xf32>
      %get3A_734 = arith.constant 0 : index
      %get3A_735 = arith.constant 512 : index
      %get3A_736 = vector.load %arg7[%get3A_734, %get3A_735] : memref<128x4096xf32, #tpu.memory_space<vmem>>, vector<128x128xf32>
      %get3A_737 = arith.constant 0 : index
      %get3A_738 = arith.constant 512 : index
      %get3A_739 = vector.load %arg9[%get3A_737, %get3A_738] : memref<128x4096xf32, #tpu.memory_space<vmem>>, vector<128x128xf32>
      %le3A_740 = vector.broadcast %broadcast_in_dim3A_689 : vector<128x1xf32> to vector<128x128xf32>
      %le3A_741 = arith.cmpf ole, %get3A_736, %le3A_740 : vector<128x128xf32>
      %broadcast_in_dim3A_742 = vector.broadcast %scan3A : f32 to vector<128x128xf32>
      %select_n3A_743 = arith.select %le3A_741, %get3A_739, %broadcast_in_dim3A_742 : vector<128x128xi1>, vector<128x128xf32>
      %min3A_744 = arith.minimumf %min3A_733, %select_n3A_743 : vector<128x128xf32>
      %get3A_745 = arith.constant 0 : index
      %get3A_746 = arith.constant 640 : index
      %get3A_747 = vector.load %arg7[%get3A_745, %get3A_746] : memref<128x4096xf32, #tpu.memory_space<vmem>>, vector<128x128xf32>
      %get3A_748 = arith.constant 0 : index
      %get3A_749 = arith.constant 640 : index
      %get3A_750 = vector.load %arg9[%get3A_748, %get3A_749] : memref<128x4096xf32, #tpu.memory_space<vmem>>, vector<128x128xf32>
      %le3A_751 = vector.broadcast %broadcast_in_dim3A_689 : vector<128x1xf32> to vector<128x128xf32>
      %le3A_752 = arith.cmpf ole, %get3A_747, %le3A_751 : vector<128x128xf32>
      %broadcast_in_dim3A_753 = vector.broadcast %scan3A : f32 to vector<128x128xf32>
      %select_n3A_754 = arith.select %le3A_752, %get3A_750, %broadcast_in_dim3A_753 : vector<128x128xi1>, vector<128x128xf32>
      %min3A_755 = arith.minimumf %min3A_744, %select_n3A_754 : vector<128x128xf32>
      %get3A_756 = arith.constant 0 : index
      %get3A_757 = arith.constant 768 : index
      %get3A_758 = vector.load %arg7[%get3A_756, %get3A_757] : memref<128x4096xf32, #tpu.memory_space<vmem>>, vector<128x128xf32>
      %get3A_759 = arith.constant 0 : index
      %get3A_760 = arith.constant 768 : index
      %get3A_761 = vector.load %arg9[%get3A_759, %get3A_760] : memref<128x4096xf32, #tpu.memory_space<vmem>>, vector<128x128xf32>
      %le3A_762 = vector.broadcast %broadcast_in_dim3A_689 : vector<128x1xf32> to vector<128x128xf32>
      %le3A_763 = arith.cmpf ole, %get3A_758, %le3A_762 : vector<128x128xf32>
      %broadcast_in_dim3A_764 = vector.broadcast %scan3A : f32 to vector<128x128xf32>
      %select_n3A_765 = arith.select %le3A_763, %get3A_761, %broadcast_in_dim3A_764 : vector<128x128xi1>, vector<128x128xf32>
      %min3A_766 = arith.minimumf %min3A_755, %select_n3A_765 : vector<128x128xf32>
      %get3A_767 = arith.constant 0 : index
      %get3A_768 = arith.constant 896 : index
      %get3A_769 = vector.load %arg7[%get3A_767, %get3A_768] : memref<128x4096xf32, #tpu.memory_space<vmem>>, vector<128x128xf32>
      %get3A_770 = arith.constant 0 : index
      %get3A_771 = arith.constant 896 : index
      %get3A_772 = vector.load %arg9[%get3A_770, %get3A_771] : memref<128x4096xf32, #tpu.memory_space<vmem>>, vector<128x128xf32>
      %le3A_773 = vector.broadcast %broadcast_in_dim3A_689 : vector<128x1xf32> to vector<128x128xf32>
      %le3A_774 = arith.cmpf ole, %get3A_769, %le3A_773 : vector<128x128xf32>
      %broadcast_in_dim3A_775 = vector.broadcast %scan3A : f32 to vector<128x128xf32>
      %select_n3A_776 = arith.select %le3A_774, %get3A_772, %broadcast_in_dim3A_775 : vector<128x128xi1>, vector<128x128xf32>
      %min3A_777 = arith.minimumf %min3A_766, %select_n3A_776 : vector<128x128xf32>
      %get3A_778 = arith.constant 0 : index
      %get3A_779 = arith.constant 1024 : index
      %get3A_780 = vector.load %arg7[%get3A_778, %get3A_779] : memref<128x4096xf32, #tpu.memory_space<vmem>>, vector<128x128xf32>
      %get3A_781 = arith.constant 0 : index
      %get3A_782 = arith.constant 1024 : index
      %get3A_783 = vector.load %arg9[%get3A_781, %get3A_782] : memref<128x4096xf32, #tpu.memory_space<vmem>>, vector<128x128xf32>
      %le3A_784 = vector.broadcast %broadcast_in_dim3A_689 : vector<128x1xf32> to vector<128x128xf32>
      %le3A_785 = arith.cmpf ole, %get3A_780, %le3A_784 : vector<128x128xf32>
      %broadcast_in_dim3A_786 = vector.broadcast %scan3A : f32 to vector<128x128xf32>
      %select_n3A_787 = arith.select %le3A_785, %get3A_783, %broadcast_in_dim3A_786 : vector<128x128xi1>, vector<128x128xf32>
      %min3A_788 = arith.minimumf %min3A_777, %select_n3A_787 : vector<128x128xf32>
      %get3A_789 = arith.constant 0 : index
      %get3A_790 = arith.constant 1152 : index
      %get3A_791 = vector.load %arg7[%get3A_789, %get3A_790] : memref<128x4096xf32, #tpu.memory_space<vmem>>, vector<128x128xf32>
      %get3A_792 = arith.constant 0 : index
      %get3A_793 = arith.constant 1152 : index
      %get3A_794 = vector.load %arg9[%get3A_792, %get3A_793] : memref<128x4096xf32, #tpu.memory_space<vmem>>, vector<128x128xf32>
      %le3A_795 = vector.broadcast %broadcast_in_dim3A_689 : vector<128x1xf32> to vector<128x128xf32>
      %le3A_796 = arith.cmpf ole, %get3A_791, %le3A_795 : vector<128x128xf32>
      %broadcast_in_dim3A_797 = vector.broadcast %scan3A : f32 to vector<128x128xf32>
      %select_n3A_798 = arith.select %le3A_796, %get3A_794, %broadcast_in_dim3A_797 : vector<128x128xi1>, vector<128x128xf32>
      %min3A_799 = arith.minimumf %min3A_788, %select_n3A_798 : vector<128x128xf32>
      %get3A_800 = arith.constant 0 : index
      %get3A_801 = arith.constant 1280 : index
      %get3A_802 = vector.load %arg7[%get3A_800, %get3A_801] : memref<128x4096xf32, #tpu.memory_space<vmem>>, vector<128x128xf32>
      %get3A_803 = arith.constant 0 : index
      %get3A_804 = arith.constant 1280 : index
      %get3A_805 = vector.load %arg9[%get3A_803, %get3A_804] : memref<128x4096xf32, #tpu.memory_space<vmem>>, vector<128x128xf32>
      %le3A_806 = vector.broadcast %broadcast_in_dim3A_689 : vector<128x1xf32> to vector<128x128xf32>
      %le3A_807 = arith.cmpf ole, %get3A_802, %le3A_806 : vector<128x128xf32>
      %broadcast_in_dim3A_808 = vector.broadcast %scan3A : f32 to vector<128x128xf32>
      %select_n3A_809 = arith.select %le3A_807, %get3A_805, %broadcast_in_dim3A_808 : vector<128x128xi1>, vector<128x128xf32>
      %min3A_810 = arith.minimumf %min3A_799, %select_n3A_809 : vector<128x128xf32>
      %get3A_811 = arith.constant 0 : index
      %get3A_812 = arith.constant 1408 : index
      %get3A_813 = vector.load %arg7[%get3A_811, %get3A_812] : memref<128x4096xf32, #tpu.memory_space<vmem>>, vector<128x128xf32>
      %get3A_814 = arith.constant 0 : index
      %get3A_815 = arith.constant 1408 : index
      %get3A_816 = vector.load %arg9[%get3A_814, %get3A_815] : memref<128x4096xf32, #tpu.memory_space<vmem>>, vector<128x128xf32>
      %le3A_817 = vector.broadcast %broadcast_in_dim3A_689 : vector<128x1xf32> to vector<128x128xf32>
      %le3A_818 = arith.cmpf ole, %get3A_813, %le3A_817 : vector<128x128xf32>
      %broadcast_in_dim3A_819 = vector.broadcast %scan3A : f32 to vector<128x128xf32>
      %select_n3A_820 = arith.select %le3A_818, %get3A_816, %broadcast_in_dim3A_819 : vector<128x128xi1>, vector<128x128xf32>
      %min3A_821 = arith.minimumf %min3A_810, %select_n3A_820 : vector<128x128xf32>
      %get3A_822 = arith.constant 0 : index
      %get3A_823 = arith.constant 1536 : index
      %get3A_824 = vector.load %arg7[%get3A_822, %get3A_823] : memref<128x4096xf32, #tpu.memory_space<vmem>>, vector<128x128xf32>
      %get3A_825 = arith.constant 0 : index
      %get3A_826 = arith.constant 1536 : index
      %get3A_827 = vector.load %arg9[%get3A_825, %get3A_826] : memref<128x4096xf32, #tpu.memory_space<vmem>>, vector<128x128xf32>
      %le3A_828 = vector.broadcast %broadcast_in_dim3A_689 : vector<128x1xf32> to vector<128x128xf32>
      %le3A_829 = arith.cmpf ole, %get3A_824, %le3A_828 : vector<128x128xf32>
      %broadcast_in_dim3A_830 = vector.broadcast %scan3A : f32 to vector<128x128xf32>
      %select_n3A_831 = arith.select %le3A_829, %get3A_827, %broadcast_in_dim3A_830 : vector<128x128xi1>, vector<128x128xf32>
      %min3A_832 = arith.minimumf %min3A_821, %select_n3A_831 : vector<128x128xf32>
      %get3A_833 = arith.constant 0 : index
      %get3A_834 = arith.constant 1664 : index
      %get3A_835 = vector.load %arg7[%get3A_833, %get3A_834] : memref<128x4096xf32, #tpu.memory_space<vmem>>, vector<128x128xf32>
      %get3A_836 = arith.constant 0 : index
      %get3A_837 = arith.constant 1664 : index
      %get3A_838 = vector.load %arg9[%get3A_836, %get3A_837] : memref<128x4096xf32, #tpu.memory_space<vmem>>, vector<128x128xf32>
      %le3A_839 = vector.broadcast %broadcast_in_dim3A_689 : vector<128x1xf32> to vector<128x128xf32>
      %le3A_840 = arith.cmpf ole, %get3A_835, %le3A_839 : vector<128x128xf32>
      %broadcast_in_dim3A_841 = vector.broadcast %scan3A : f32 to vector<128x128xf32>
      %select_n3A_842 = arith.select %le3A_840, %get3A_838, %broadcast_in_dim3A_841 : vector<128x128xi1>, vector<128x128xf32>
      %min3A_843 = arith.minimumf %min3A_832, %select_n3A_842 : vector<128x128xf32>
      %get3A_844 = arith.constant 0 : index
      %get3A_845 = arith.constant 1792 : index
      %get3A_846 = vector.load %arg7[%get3A_844, %get3A_845] : memref<128x4096xf32, #tpu.memory_space<vmem>>, vector<128x128xf32>
      %get3A_847 = arith.constant 0 : index
      %get3A_848 = arith.constant 1792 : index
      %get3A_849 = vector.load %arg9[%get3A_847, %get3A_848] : memref<128x4096xf32, #tpu.memory_space<vmem>>, vector<128x128xf32>
      %le3A_850 = vector.broadcast %broadcast_in_dim3A_689 : vector<128x1xf32> to vector<128x128xf32>
      %le3A_851 = arith.cmpf ole, %get3A_846, %le3A_850 : vector<128x128xf32>
      %broadcast_in_dim3A_852 = vector.broadcast %scan3A : f32 to vector<128x128xf32>
      %select_n3A_853 = arith.select %le3A_851, %get3A_849, %broadcast_in_dim3A_852 : vector<128x128xi1>, vector<128x128xf32>
      %min3A_854 = arith.minimumf %min3A_843, %select_n3A_853 : vector<128x128xf32>
      %get3A_855 = arith.constant 0 : index
      %get3A_856 = arith.constant 1920 : index
      %get3A_857 = vector.load %arg7[%get3A_855, %get3A_856] : memref<128x4096xf32, #tpu.memory_space<vmem>>, vector<128x128xf32>
      %get3A_858 = arith.constant 0 : index
      %get3A_859 = arith.constant 1920 : index
      %get3A_860 = vector.load %arg9[%get3A_858, %get3A_859] : memref<128x4096xf32, #tpu.memory_space<vmem>>, vector<128x128xf32>
      %le3A_861 = vector.broadcast %broadcast_in_dim3A_689 : vector<128x1xf32> to vector<128x128xf32>
      %le3A_862 = arith.cmpf ole, %get3A_857, %le3A_861 : vector<128x128xf32>
      %broadcast_in_dim3A_863 = vector.broadcast %scan3A : f32 to vector<128x128xf32>
      %select_n3A_864 = arith.select %le3A_862, %get3A_860, %broadcast_in_dim3A_863 : vector<128x128xi1>, vector<128x128xf32>
      %min3A_865 = arith.minimumf %min3A_854, %select_n3A_864 : vector<128x128xf32>
      %get3A_866 = arith.constant 0 : index
      %get3A_867 = arith.constant 2048 : index
      %get3A_868 = vector.load %arg7[%get3A_866, %get3A_867] : memref<128x4096xf32, #tpu.memory_space<vmem>>, vector<128x128xf32>
      %get3A_869 = arith.constant 0 : index
      %get3A_870 = arith.constant 2048 : index
      %get3A_871 = vector.load %arg9[%get3A_869, %get3A_870] : memref<128x4096xf32, #tpu.memory_space<vmem>>, vector<128x128xf32>
      %le3A_872 = vector.broadcast %broadcast_in_dim3A_689 : vector<128x1xf32> to vector<128x128xf32>
      %le3A_873 = arith.cmpf ole, %get3A_868, %le3A_872 : vector<128x128xf32>
      %broadcast_in_dim3A_874 = vector.broadcast %scan3A : f32 to vector<128x128xf32>
      %select_n3A_875 = arith.select %le3A_873, %get3A_871, %broadcast_in_dim3A_874 : vector<128x128xi1>, vector<128x128xf32>
      %min3A_876 = arith.minimumf %min3A_865, %select_n3A_875 : vector<128x128xf32>
      %get3A_877 = arith.constant 0 : index
      %get3A_878 = arith.constant 2176 : index
      %get3A_879 = vector.load %arg7[%get3A_877, %get3A_878] : memref<128x4096xf32, #tpu.memory_space<vmem>>, vector<128x128xf32>
      %get3A_880 = arith.constant 0 : index
      %get3A_881 = arith.constant 2176 : index
      %get3A_882 = vector.load %arg9[%get3A_880, %get3A_881] : memref<128x4096xf32, #tpu.memory_space<vmem>>, vector<128x128xf32>
      %le3A_883 = vector.broadcast %broadcast_in_dim3A_689 : vector<128x1xf32> to vector<128x128xf32>
      %le3A_884 = arith.cmpf ole, %get3A_879, %le3A_883 : vector<128x128xf32>
      %broadcast_in_dim3A_885 = vector.broadcast %scan3A : f32 to vector<128x128xf32>
      %select_n3A_886 = arith.select %le3A_884, %get3A_882, %broadcast_in_dim3A_885 : vector<128x128xi1>, vector<128x128xf32>
      %min3A_887 = arith.minimumf %min3A_876, %select_n3A_886 : vector<128x128xf32>
      %get3A_888 = arith.constant 0 : index
      %get3A_889 = arith.constant 2304 : index
      %get3A_890 = vector.load %arg7[%get3A_888, %get3A_889] : memref<128x4096xf32, #tpu.memory_space<vmem>>, vector<128x128xf32>
      %get3A_891 = arith.constant 0 : index
      %get3A_892 = arith.constant 2304 : index
      %get3A_893 = vector.load %arg9[%get3A_891, %get3A_892] : memref<128x4096xf32, #tpu.memory_space<vmem>>, vector<128x128xf32>
      %le3A_894 = vector.broadcast %broadcast_in_dim3A_689 : vector<128x1xf32> to vector<128x128xf32>
      %le3A_895 = arith.cmpf ole, %get3A_890, %le3A_894 : vector<128x128xf32>
      %broadcast_in_dim3A_896 = vector.broadcast %scan3A : f32 to vector<128x128xf32>
      %select_n3A_897 = arith.select %le3A_895, %get3A_893, %broadcast_in_dim3A_896 : vector<128x128xi1>, vector<128x128xf32>
      %min3A_898 = arith.minimumf %min3A_887, %select_n3A_897 : vector<128x128xf32>
      %get3A_899 = arith.constant 0 : index
      %get3A_900 = arith.constant 2432 : index
      %get3A_901 = vector.load %arg7[%get3A_899, %get3A_900] : memref<128x4096xf32, #tpu.memory_space<vmem>>, vector<128x128xf32>
      %get3A_902 = arith.constant 0 : index
      %get3A_903 = arith.constant 2432 : index
      %get3A_904 = vector.load %arg9[%get3A_902, %get3A_903] : memref<128x4096xf32, #tpu.memory_space<vmem>>, vector<128x128xf32>
      %le3A_905 = vector.broadcast %broadcast_in_dim3A_689 : vector<128x1xf32> to vector<128x128xf32>
      %le3A_906 = arith.cmpf ole, %get3A_901, %le3A_905 : vector<128x128xf32>
      %broadcast_in_dim3A_907 = vector.broadcast %scan3A : f32 to vector<128x128xf32>
      %select_n3A_908 = arith.select %le3A_906, %get3A_904, %broadcast_in_dim3A_907 : vector<128x128xi1>, vector<128x128xf32>
      %min3A_909 = arith.minimumf %min3A_898, %select_n3A_908 : vector<128x128xf32>
      %get3A_910 = arith.constant 0 : index
      %get3A_911 = arith.constant 2560 : index
      %get3A_912 = vector.load %arg7[%get3A_910, %get3A_911] : memref<128x4096xf32, #tpu.memory_space<vmem>>, vector<128x128xf32>
      %get3A_913 = arith.constant 0 : index
      %get3A_914 = arith.constant 2560 : index
      %get3A_915 = vector.load %arg9[%get3A_913, %get3A_914] : memref<128x4096xf32, #tpu.memory_space<vmem>>, vector<128x128xf32>
      %le3A_916 = vector.broadcast %broadcast_in_dim3A_689 : vector<128x1xf32> to vector<128x128xf32>
      %le3A_917 = arith.cmpf ole, %get3A_912, %le3A_916 : vector<128x128xf32>
      %broadcast_in_dim3A_918 = vector.broadcast %scan3A : f32 to vector<128x128xf32>
      %select_n3A_919 = arith.select %le3A_917, %get3A_915, %broadcast_in_dim3A_918 : vector<128x128xi1>, vector<128x128xf32>
      %min3A_920 = arith.minimumf %min3A_909, %select_n3A_919 : vector<128x128xf32>
      %get3A_921 = arith.constant 0 : index
      %get3A_922 = arith.constant 2688 : index
      %get3A_923 = vector.load %arg7[%get3A_921, %get3A_922] : memref<128x4096xf32, #tpu.memory_space<vmem>>, vector<128x128xf32>
      %get3A_924 = arith.constant 0 : index
      %get3A_925 = arith.constant 2688 : index
      %get3A_926 = vector.load %arg9[%get3A_924, %get3A_925] : memref<128x4096xf32, #tpu.memory_space<vmem>>, vector<128x128xf32>
      %le3A_927 = vector.broadcast %broadcast_in_dim3A_689 : vector<128x1xf32> to vector<128x128xf32>
      %le3A_928 = arith.cmpf ole, %get3A_923, %le3A_927 : vector<128x128xf32>
      %broadcast_in_dim3A_929 = vector.broadcast %scan3A : f32 to vector<128x128xf32>
      %select_n3A_930 = arith.select %le3A_928, %get3A_926, %broadcast_in_dim3A_929 : vector<128x128xi1>, vector<128x128xf32>
      %min3A_931 = arith.minimumf %min3A_920, %select_n3A_930 : vector<128x128xf32>
      %get3A_932 = arith.constant 0 : index
      %get3A_933 = arith.constant 2816 : index
      %get3A_934 = vector.load %arg7[%get3A_932, %get3A_933] : memref<128x4096xf32, #tpu.memory_space<vmem>>, vector<128x128xf32>
      %get3A_935 = arith.constant 0 : index
      %get3A_936 = arith.constant 2816 : index
      %get3A_937 = vector.load %arg9[%get3A_935, %get3A_936] : memref<128x4096xf32, #tpu.memory_space<vmem>>, vector<128x128xf32>
      %le3A_938 = vector.broadcast %broadcast_in_dim3A_689 : vector<128x1xf32> to vector<128x128xf32>
      %le3A_939 = arith.cmpf ole, %get3A_934, %le3A_938 : vector<128x128xf32>
      %broadcast_in_dim3A_940 = vector.broadcast %scan3A : f32 to vector<128x128xf32>
      %select_n3A_941 = arith.select %le3A_939, %get3A_937, %broadcast_in_dim3A_940 : vector<128x128xi1>, vector<128x128xf32>
      %min3A_942 = arith.minimumf %min3A_931, %select_n3A_941 : vector<128x128xf32>
      %get3A_943 = arith.constant 0 : index
      %get3A_944 = arith.constant 2944 : index
      %get3A_945 = vector.load %arg7[%get3A_943, %get3A_944] : memref<128x4096xf32, #tpu.memory_space<vmem>>, vector<128x128xf32>
      %get3A_946 = arith.constant 0 : index
      %get3A_947 = arith.constant 2944 : index
      %get3A_948 = vector.load %arg9[%get3A_946, %get3A_947] : memref<128x4096xf32, #tpu.memory_space<vmem>>, vector<128x128xf32>
      %le3A_949 = vector.broadcast %broadcast_in_dim3A_689 : vector<128x1xf32> to vector<128x128xf32>
      %le3A_950 = arith.cmpf ole, %get3A_945, %le3A_949 : vector<128x128xf32>
      %broadcast_in_dim3A_951 = vector.broadcast %scan3A : f32 to vector<128x128xf32>
      %select_n3A_952 = arith.select %le3A_950, %get3A_948, %broadcast_in_dim3A_951 : vector<128x128xi1>, vector<128x128xf32>
      %min3A_953 = arith.minimumf %min3A_942, %select_n3A_952 : vector<128x128xf32>
      %get3A_954 = arith.constant 0 : index
      %get3A_955 = arith.constant 3072 : index
      %get3A_956 = vector.load %arg7[%get3A_954, %get3A_955] : memref<128x4096xf32, #tpu.memory_space<vmem>>, vector<128x128xf32>
      %get3A_957 = arith.constant 0 : index
      %get3A_958 = arith.constant 3072 : index
      %get3A_959 = vector.load %arg9[%get3A_957, %get3A_958] : memref<128x4096xf32, #tpu.memory_space<vmem>>, vector<128x128xf32>
      %le3A_960 = vector.broadcast %broadcast_in_dim3A_689 : vector<128x1xf32> to vector<128x128xf32>
      %le3A_961 = arith.cmpf ole, %get3A_956, %le3A_960 : vector<128x128xf32>
      %broadcast_in_dim3A_962 = vector.broadcast %scan3A : f32 to vector<128x128xf32>
      %select_n3A_963 = arith.select %le3A_961, %get3A_959, %broadcast_in_dim3A_962 : vector<128x128xi1>, vector<128x128xf32>
      %min3A_964 = arith.minimumf %min3A_953, %select_n3A_963 : vector<128x128xf32>
      %get3A_965 = arith.constant 0 : index
      %get3A_966 = arith.constant 3200 : index
      %get3A_967 = vector.load %arg7[%get3A_965, %get3A_966] : memref<128x4096xf32, #tpu.memory_space<vmem>>, vector<128x128xf32>
      %get3A_968 = arith.constant 0 : index
      %get3A_969 = arith.constant 3200 : index
      %get3A_970 = vector.load %arg9[%get3A_968, %get3A_969] : memref<128x4096xf32, #tpu.memory_space<vmem>>, vector<128x128xf32>
      %le3A_971 = vector.broadcast %broadcast_in_dim3A_689 : vector<128x1xf32> to vector<128x128xf32>
      %le3A_972 = arith.cmpf ole, %get3A_967, %le3A_971 : vector<128x128xf32>
      %broadcast_in_dim3A_973 = vector.broadcast %scan3A : f32 to vector<128x128xf32>
      %select_n3A_974 = arith.select %le3A_972, %get3A_970, %broadcast_in_dim3A_973 : vector<128x128xi1>, vector<128x128xf32>
      %min3A_975 = arith.minimumf %min3A_964, %select_n3A_974 : vector<128x128xf32>
      %get3A_976 = arith.constant 0 : index
      %get3A_977 = arith.constant 3328 : index
      %get3A_978 = vector.load %arg7[%get3A_976, %get3A_977] : memref<128x4096xf32, #tpu.memory_space<vmem>>, vector<128x128xf32>
      %get3A_979 = arith.constant 0 : index
      %get3A_980 = arith.constant 3328 : index
      %get3A_981 = vector.load %arg9[%get3A_979, %get3A_980] : memref<128x4096xf32, #tpu.memory_space<vmem>>, vector<128x128xf32>
      %le3A_982 = vector.broadcast %broadcast_in_dim3A_689 : vector<128x1xf32> to vector<128x128xf32>
      %le3A_983 = arith.cmpf ole, %get3A_978, %le3A_982 : vector<128x128xf32>
      %broadcast_in_dim3A_984 = vector.broadcast %scan3A : f32 to vector<128x128xf32>
      %select_n3A_985 = arith.select %le3A_983, %get3A_981, %broadcast_in_dim3A_984 : vector<128x128xi1>, vector<128x128xf32>
      %min3A_986 = arith.minimumf %min3A_975, %select_n3A_985 : vector<128x128xf32>
      %get3A_987 = arith.constant 0 : index
      %get3A_988 = arith.constant 3456 : index
      %get3A_989 = vector.load %arg7[%get3A_987, %get3A_988] : memref<128x4096xf32, #tpu.memory_space<vmem>>, vector<128x128xf32>
      %get3A_990 = arith.constant 0 : index
      %get3A_991 = arith.constant 3456 : index
      %get3A_992 = vector.load %arg9[%get3A_990, %get3A_991] : memref<128x4096xf32, #tpu.memory_space<vmem>>, vector<128x128xf32>
      %le3A_993 = vector.broadcast %broadcast_in_dim3A_689 : vector<128x1xf32> to vector<128x128xf32>
      %le3A_994 = arith.cmpf ole, %get3A_989, %le3A_993 : vector<128x128xf32>
      %broadcast_in_dim3A_995 = vector.broadcast %scan3A : f32 to vector<128x128xf32>
      %select_n3A_996 = arith.select %le3A_994, %get3A_992, %broadcast_in_dim3A_995 : vector<128x128xi1>, vector<128x128xf32>
      %min3A_997 = arith.minimumf %min3A_986, %select_n3A_996 : vector<128x128xf32>
      %get3A_998 = arith.constant 0 : index
      %get3A_999 = arith.constant 3584 : index
      %get3A_1000 = vector.load %arg7[%get3A_998, %get3A_999] : memref<128x4096xf32, #tpu.memory_space<vmem>>, vector<128x128xf32>
      %get3A_1001 = arith.constant 0 : index
      %get3A_1002 = arith.constant 3584 : index
      %get3A_1003 = vector.load %arg9[%get3A_1001, %get3A_1002] : memref<128x4096xf32, #tpu.memory_space<vmem>>, vector<128x128xf32>
      %le3A_1004 = vector.broadcast %broadcast_in_dim3A_689 : vector<128x1xf32> to vector<128x128xf32>
      %le3A_1005 = arith.cmpf ole, %get3A_1000, %le3A_1004 : vector<128x128xf32>
      %broadcast_in_dim3A_1006 = vector.broadcast %scan3A : f32 to vector<128x128xf32>
      %select_n3A_1007 = arith.select %le3A_1005, %get3A_1003, %broadcast_in_dim3A_1006 : vector<128x128xi1>, vector<128x128xf32>
      %min3A_1008 = arith.minimumf %min3A_997, %select_n3A_1007 : vector<128x128xf32>
      %get3A_1009 = arith.constant 0 : index
      %get3A_1010 = arith.constant 3712 : index
      %get3A_1011 = vector.load %arg7[%get3A_1009, %get3A_1010] : memref<128x4096xf32, #tpu.memory_space<vmem>>, vector<128x128xf32>
      %get3A_1012 = arith.constant 0 : index
      %get3A_1013 = arith.constant 3712 : index
      %get3A_1014 = vector.load %arg9[%get3A_1012, %get3A_1013] : memref<128x4096xf32, #tpu.memory_space<vmem>>, vector<128x128xf32>
      %le3A_1015 = vector.broadcast %broadcast_in_dim3A_689 : vector<128x1xf32> to vector<128x128xf32>
      %le3A_1016 = arith.cmpf ole, %get3A_1011, %le3A_1015 : vector<128x128xf32>
      %broadcast_in_dim3A_1017 = vector.broadcast %scan3A : f32 to vector<128x128xf32>
      %select_n3A_1018 = arith.select %le3A_1016, %get3A_1014, %broadcast_in_dim3A_1017 : vector<128x128xi1>, vector<128x128xf32>
      %min3A_1019 = arith.minimumf %min3A_1008, %select_n3A_1018 : vector<128x128xf32>
      %get3A_1020 = arith.constant 0 : index
      %get3A_1021 = arith.constant 3840 : index
      %get3A_1022 = vector.load %arg7[%get3A_1020, %get3A_1021] : memref<128x4096xf32, #tpu.memory_space<vmem>>, vector<128x128xf32>
      %get3A_1023 = arith.constant 0 : index
      %get3A_1024 = arith.constant 3840 : index
      %get3A_1025 = vector.load %arg9[%get3A_1023, %get3A_1024] : memref<128x4096xf32, #tpu.memory_space<vmem>>, vector<128x128xf32>
      %le3A_1026 = vector.broadcast %broadcast_in_dim3A_689 : vector<128x1xf32> to vector<128x128xf32>
      %le3A_1027 = arith.cmpf ole, %get3A_1022, %le3A_1026 : vector<128x128xf32>
      %broadcast_in_dim3A_1028 = vector.broadcast %scan3A : f32 to vector<128x128xf32>
      %select_n3A_1029 = arith.select %le3A_1027, %get3A_1025, %broadcast_in_dim3A_1028 : vector<128x128xi1>, vector<128x128xf32>
      %min3A_1030 = arith.minimumf %min3A_1019, %select_n3A_1029 : vector<128x128xf32>
      %get3A_1031 = arith.constant 0 : index
      %get3A_1032 = arith.constant 3968 : index
      %get3A_1033 = vector.load %arg7[%get3A_1031, %get3A_1032] : memref<128x4096xf32, #tpu.memory_space<vmem>>, vector<128x128xf32>
      %get3A_1034 = arith.constant 0 : index
      %get3A_1035 = arith.constant 3968 : index
      %get3A_1036 = vector.load %arg9[%get3A_1034, %get3A_1035] : memref<128x4096xf32, #tpu.memory_space<vmem>>, vector<128x128xf32>
      %le3A_1037 = vector.broadcast %broadcast_in_dim3A_689 : vector<128x1xf32> to vector<128x128xf32>
      %le3A_1038 = arith.cmpf ole, %get3A_1033, %le3A_1037 : vector<128x128xf32>
      %broadcast_in_dim3A_1039 = vector.broadcast %scan3A : f32 to vector<128x128xf32>
      %select_n3A_1040 = arith.select %le3A_1038, %get3A_1036, %broadcast_in_dim3A_1039 : vector<128x128xi1>, vector<128x128xf32>
      %min3A_1041 = arith.minimumf %min3A_1030, %select_n3A_1040 : vector<128x128xf32>
      %reduce_min3A_1042 = arith.constant dense<0x7F800000> : vector<128xf32>
      %reduce_min3A_1043 = vector.multi_reduction <minimumf>, %min3A_1041, %reduce_min3A_1042 [1] : vector<128x128xf32> to vector<128xf32>
      %broadcast_in_dim3A_1044 = vector.shape_cast %reduce_min3A_1043 : vector<128xf32> to vector<128x1xf32>
      %eq3A_1045 = vector.broadcast %scan3A_237 : i32 to vector<128x128xi32>
      %eq3A_1046 = arith.cmpi eq, %iota3A_207, %eq3A_1045 : vector<128x128xi32>
      %convert_element_type3A_1047 = arith.fptosi %broadcast_in_dim3A_1044 : vector<128x1xf32> to vector<128x1xi32>
      %add3A_1048 = vector.broadcast %mul3A_209 : i32 to vector<128x1xi32>
      %add3A_1049 = arith.addi %convert_element_type3A_1047, %add3A_1048 : vector<128x1xi32>
      %broadcast_in_dim3A_1050 = vector.shape_cast %add3A_1049 : vector<128x1xi32> to vector<128x1xi32>
      %broadcast_in_dim3A_1051 = vector.broadcast %broadcast_in_dim3A_1050 : vector<128x1xi32> to vector<128x128xi32>
      %select_n3A_1052 = arith.select %eq3A_1046, %broadcast_in_dim3A_1051, %scan3A_239 : vector<128x128xi1>, vector<128x128xi32>
      scf.yield %broadcast_in_dim3A_1044, %select_n3A_1052 : vector<128x1xf32>, vector<128x128xi32>
    }
    %scan3A_219 = arith.constant 20 : i32
    %swap3A_220 = arith.constant 0 : index
    %swap3A_221 = arith.constant 0 : index
    %swap3A_222 = arith.constant 0 : index
    %swap3A_223 = vector.load %arg5[%swap3A_220, %swap3A_221, %swap3A_222] : memref<1x128x128xi32, #tpu.memory_space<vmem>>, vector<1x128x128xi32>
    %swap3A_224 = vector.shape_cast %swap3A_223 : vector<1x128x128xi32> to vector<128x128xi32>
    %swap3A_225 = vector.shape_cast %scan3A_218#1 : vector<128x128xi32> to vector<1x128x128xi32>
    tpu.vector_store %arg5[%swap3A_220, %swap3A_221, %swap3A_222], %swap3A_225 {strides = array<i32>} : memref<1x128x128xi32, #tpu.memory_space<vmem>>, vector<1x128x128xi32>,
    %get3A_226 = arith.constant 0 : index
    %get3A_227 = arith.constant 0 : index
    %get3A_228 = vector.load %arg4[%get3A_226, %get3A_227] : memref<64x64xf32, #tpu.memory_space<vmem>>, vector<64x64xf32>
    %dot_general3A_229 = arith.constant dense<0.000000e+00> : vector<128x64xf32>
    %dot_general3A_230 = tpu.matmul %get3A_3, %get3A_228, %dot_general3A_229 {dimension_numbers = #tpu.dot_dimension_numbers<[1], [0], [0], [1], [0, 0, 1, 1], [], []>, transpose_lhs_hint = false} : vector<128x64xf32>, vector<64x64xf32>, vector<128x64xf32> -> vector<128x64xf32>
    %swap3A_231 = arith.constant 0 : index
    %swap3A_232 = arith.constant 0 : index
    %swap3A_233 = arith.constant 0 : index
    %swap3A_234 = vector.load %arg6[%swap3A_231, %swap3A_232, %swap3A_233] : memref<1x128x64xf32, #tpu.memory_space<vmem>>, vector<1x128x64xf32>
    %swap3A_235 = vector.shape_cast %swap3A_234 : vector<1x128x64xf32> to vector<128x64xf32>
    %swap3A_236 = vector.shape_cast %dot_general3A_230 : vector<128x64xf32> to vector<1x128x64xf32>
    tpu.vector_store %arg6[%swap3A_231, %swap3A_232, %swap3A_233], %swap3A_236 {strides = array<i32>} : memref<1x128x64xf32, #tpu.memory_space<vmem>>, vector<1x128x64xf32>,
    return
  }
  func.func @transform_0(%arg0: i32, %arg1: i32) -> (i32, i32, i32) {
    %c0_i32 = arith.constant 0 : i32
    %c0_i32_0 = arith.constant 0 : i32
    %c0_i32_1 = arith.constant 0 : i32
    return %arg0, %c0_i32, %c0_i32_0 : i32, i32, i32
  }
  func.func @transform_1(%arg0: i32, %arg1: i32) -> (i32, i32, i32) {
    %c0_i32 = arith.constant 0 : i32
    %c0_i32_0 = arith.constant 0 : i32
    return %arg0, %arg1, %c0_i32 : i32, i32, i32
  }
  func.func @transform_2(%arg0: i32, %arg1: i32) -> (i32, i32) {
    %c0_i32 = arith.constant 0 : i32
    %c0_i32_0 = arith.constant 0 : i32
    %c0_i32_1 = arith.constant 0 : i32
    return %c0_i32, %c0_i32_0 : i32, i32
  }
  func.func @transform_3(%arg0: i32, %arg1: i32) -> (i32, i32, i32) {
    %c0_i32 = arith.constant 0 : i32
    %c0_i32_0 = arith.constant 0 : i32
    return %arg0, %arg1, %c0_i32 : i32, i32, i32
  }
  func.func @transform_4(%arg0: i32, %arg1: i32) -> (i32, i32, i32) {
    %c0_i32 = arith.constant 0 : i32
    %c0_i32_0 = arith.constant 0 : i32
    return %arg0, %arg1, %c0_i32 : i32, i32, i32
  }
}

module attributes {stable_mosaic.version = 14 : i64} {
  func.func @_stats_body(%arg0: i32, %arg1: memref<10240x128xf32, #tpu.memory_space<vmem>>, %arg2: memref<512x64xf32, #tpu.memory_space<vmem>>, %arg3: memref<1x64xf32, #tpu.memory_space<vmem>>, %arg4: memref<2x64xf32, #tpu.memory_space<vmem>>, %arg5: memref<2x64xf32, #tpu.memory_space<vmem>>) attributes {dimension_semantics = [#tpu.dimension_semantics<arbitrary>], iteration_bounds = array<i64: 16>, scalar_prefetch = 0 : i64, scratch_operands = 1 : i64, tpu.core_type = #tpu.core_type<tc>, window_params = [{transform_indices = @transform_0, window_bounds = array<i64: 10240, 128>}, {transform_indices = @transform_1, window_bounds = array<i64: 512, 64>}, {pipeline_mode = #tpu.pipeline_mode<synchronous>, transform_indices = @transform_2, window_bounds = array<i64: 1, 64>}, {pipeline_mode = #tpu.pipeline_mode<synchronous>, transform_indices = @transform_3, window_bounds = array<i64: 2, 64>}]} {
    %get3A = arith.constant 0 : index
    %get3A_0 = arith.constant 0 : index
    %get3A_1 = vector.load %arg1[%get3A, %get3A_0] : memref<10240x128xf32, #tpu.memory_space<vmem>>, vector<10240x64xf32>
    %reshape3A = vector.shape_cast %get3A_1 : vector<10240x64xf32> to vector<512x20x64xf32>
    %get3A_2 = arith.constant 0 : index
    %get3A_3 = arith.constant 0 : index
    %get3A_4 = vector.load %arg2[%get3A_2, %get3A_3] : memref<512x64xf32, #tpu.memory_space<vmem>>, vector<512x64xf32>
    %broadcast_in_dim3A = vector.shape_cast %get3A_4 : vector<512x64xf32> to vector<512x1x64xf32>
    %sub3A = vector.broadcast %broadcast_in_dim3A : vector<512x1x64xf32> to vector<512x20x64xf32>
    %sub3A_5 = arith.subf %reshape3A, %sub3A : vector<512x20x64xf32>
    %get3A_6 = arith.constant 0 : index
    %get3A_7 = arith.constant 0 : index
    %get3A_8 = vector.load %arg3[%get3A_6, %get3A_7] : memref<1x64xf32, #tpu.memory_space<vmem>>, vector<1x64xf32>
    %get3A_9 = vector.shape_cast %get3A_8 : vector<1x64xf32> to vector<64xf32>
    %broadcast_in_dim3A_10 = vector.shape_cast %get3A_9 : vector<64xf32> to vector<1x1x64xf32>
    %add3A = vector.broadcast %broadcast_in_dim3A_10 : vector<1x1x64xf32> to vector<512x20x64xf32>
    %add3A_11 = arith.addf %sub3A_5, %add3A : vector<512x20x64xf32>
    %eq3A = arith.constant 0 : i32
    %eq3A_12 = arith.cmpi eq, %arg0, %eq3A : i32
    %convert_element_type3A = arith.extui %eq3A_12 : i1 to i32
    %cond3A = arith.constant 0 : i32
    %cond3A_13 = arith.cmpi ne, %convert_element_type3A, %cond3A : i32
    scf.if %cond3A_13 {
      %broadcast_in_dim3A_41 = arith.constant 0.000000e+00 : f32
      %broadcast_in_dim3A_42 = vector.broadcast %broadcast_in_dim3A_41 : f32 to vector<2x64xf32>
      %swap3A_43 = arith.constant 0 : index
      %swap3A_44 = arith.constant 0 : index
      %swap3A_45 = vector.load %arg5[%swap3A_43, %swap3A_44] : memref<2x64xf32, #tpu.memory_space<vmem>>, vector<2x64xf32>
      tpu.vector_store %arg5[%swap3A_43, %swap3A_44], %broadcast_in_dim3A_42 {strides = array<i32>} : memref<2x64xf32, #tpu.memory_space<vmem>>, vector<2x64xf32>,
    } else {
    }
    %get3A_14 = arith.constant 0 : index
    %get3A_15 = arith.constant 0 : index
    %get3A_16 = vector.load %arg5[%get3A_14, %get3A_15] : memref<2x64xf32, #tpu.memory_space<vmem>>, vector<1x64xf32>
    %get3A_17 = vector.shape_cast %get3A_16 : vector<1x64xf32> to vector<64xf32>
    %reduce_sum3A = arith.constant dense<0.000000e+00> : vector<64xf32>
    %reduce_sum3A_18 = vector.multi_reduction <add>, %add3A_11, %reduce_sum3A [0, 1] : vector<512x20x64xf32> to vector<64xf32>
    %add3A_19 = arith.addf %get3A_17, %reduce_sum3A_18 : vector<64xf32>
    %swap3A = arith.constant 0 : index
    %swap3A_20 = arith.constant 0 : index
    %swap3A_21 = vector.load %arg5[%swap3A, %swap3A_20] : memref<2x64xf32, #tpu.memory_space<vmem>>, vector<1x64xf32>
    %swap3A_22 = vector.shape_cast %swap3A_21 : vector<1x64xf32> to vector<64xf32>
    %swap3A_23 = vector.shape_cast %add3A_19 : vector<64xf32> to vector<1x64xf32>
    tpu.vector_store %arg5[%swap3A, %swap3A_20], %swap3A_23 {strides = array<i32>} : memref<2x64xf32, #tpu.memory_space<vmem>>, vector<1x64xf32>,
    %get3A_24 = arith.constant 1 : index
    %get3A_25 = arith.constant 0 : index
    %get3A_26 = vector.load %arg5[%get3A_24, %get3A_25] : memref<2x64xf32, #tpu.memory_space<vmem>>, vector<1x64xf32>
    %get3A_27 = vector.shape_cast %get3A_26 : vector<1x64xf32> to vector<64xf32>
    %mul3A = arith.mulf %add3A_11, %add3A_11 : vector<512x20x64xf32>
    %reduce_sum3A_28 = arith.constant dense<0.000000e+00> : vector<64xf32>
    %reduce_sum3A_29 = vector.multi_reduction <add>, %mul3A, %reduce_sum3A_28 [0, 1] : vector<512x20x64xf32> to vector<64xf32>
    %add3A_30 = arith.addf %get3A_27, %reduce_sum3A_29 : vector<64xf32>
    %swap3A_31 = arith.constant 1 : index
    %swap3A_32 = arith.constant 0 : index
    %swap3A_33 = vector.load %arg5[%swap3A_31, %swap3A_32] : memref<2x64xf32, #tpu.memory_space<vmem>>, vector<1x64xf32>
    %swap3A_34 = vector.shape_cast %swap3A_33 : vector<1x64xf32> to vector<64xf32>
    %swap3A_35 = vector.shape_cast %add3A_30 : vector<64xf32> to vector<1x64xf32>
    tpu.vector_store %arg5[%swap3A_31, %swap3A_32], %swap3A_35 {strides = array<i32>} : memref<2x64xf32, #tpu.memory_space<vmem>>, vector<1x64xf32>,
    %eq3A_36 = arith.constant 15 : i32
    %eq3A_37 = arith.cmpi eq, %arg0, %eq3A_36 : i32
    %convert_element_type3A_38 = arith.extui %eq3A_37 : i1 to i32
    %cond3A_39 = arith.constant 0 : i32
    %cond3A_40 = arith.cmpi ne, %convert_element_type3A_38, %cond3A_39 : i32
    scf.if %cond3A_40 {
      %get3A_41 = arith.constant 0 : index
      %get3A_42 = arith.constant 0 : index
      %get3A_43 = vector.load %arg5[%get3A_41, %get3A_42] : memref<2x64xf32, #tpu.memory_space<vmem>>, vector<2x64xf32>
      %swap3A_44 = arith.constant 0 : index
      %swap3A_45 = arith.constant 0 : index
      %swap3A_46 = vector.load %arg4[%swap3A_44, %swap3A_45] : memref<2x64xf32, #tpu.memory_space<vmem>>, vector<2x64xf32>
      tpu.vector_store %arg4[%swap3A_44, %swap3A_45], %get3A_43 {strides = array<i32>} : memref<2x64xf32, #tpu.memory_space<vmem>>, vector<2x64xf32>,
    } else {
    }
    return
  }
  func.func @transform_0(%arg0: i32) -> (i32, i32) {
    %c0_i32 = arith.constant 0 : i32
    %c0_i32_0 = arith.constant 0 : i32
    return %arg0, %c0_i32 : i32, i32
  }
  func.func @transform_1(%arg0: i32) -> (i32, i32) {
    %c0_i32 = arith.constant 0 : i32
    %c0_i32_0 = arith.constant 0 : i32
    return %arg0, %c0_i32 : i32, i32
  }
  func.func @transform_2(%arg0: i32) -> (i32, i32) {
    %c0_i32 = arith.constant 0 : i32
    %c0_i32_0 = arith.constant 0 : i32
    %c0_i32_1 = arith.constant 0 : i32
    return %c0_i32, %c0_i32_0 : i32, i32
  }
  func.func @transform_3(%arg0: i32) -> (i32, i32) {
    %c0_i32 = arith.constant 0 : i32
    %c0_i32_0 = arith.constant 0 : i32
    %c0_i32_1 = arith.constant 0 : i32
    return %c0_i32, %c0_i32_0 : i32, i32
  }
}

module attributes {stable_mosaic.version = 14 : i64} {
  func.func @_head_body(%arg0: i32, %arg1: memref<5120x128xf32, #tpu.memory_space<vmem>>, %arg2: memref<256x64xf32, #tpu.memory_space<vmem>>, %arg3: memref<256x64xf32, #tpu.memory_space<vmem>>, %arg4: memref<256x32xf32, #tpu.memory_space<vmem>>, %arg5: memref<2x64xf32, #tpu.memory_space<vmem>>, %arg6: memref<1x64xf32, #tpu.memory_space<vmem>>, %arg7: memref<1x64xf32, #tpu.memory_space<vmem>>, %arg8: memref<1x64xf32, #tpu.memory_space<vmem>>, %arg9: memref<64x64xf32, #tpu.memory_space<vmem>>, %arg10: memref<1x64xf32, #tpu.memory_space<vmem>>, %arg11: memref<64x64xf32, #tpu.memory_space<vmem>>, %arg12: memref<1x64xf32, #tpu.memory_space<vmem>>, %arg13: memref<32x32xf32, #tpu.memory_space<vmem>>, %arg14: memref<1x32xf32, #tpu.memory_space<vmem>>, %arg15: memref<32x32xf32, #tpu.memory_space<vmem>>, %arg16: memref<1x32xf32, #tpu.memory_space<vmem>>, %arg17: memref<256x64xf32, #tpu.memory_space<vmem>>, %arg18: memref<256x32xf32, #tpu.memory_space<vmem>>) attributes {dimension_semantics = [#tpu.dimension_semantics<arbitrary>], iteration_bounds = array<i64: 32>, scalar_prefetch = 0 : i64, scratch_operands = 0 : i64, tpu.core_type = #tpu.core_type<tc>, window_params = [{transform_indices = @transform_0, window_bounds = array<i64: 5120, 128>}, {transform_indices = @transform_1, window_bounds = array<i64: 256, 64>}, {transform_indices = @transform_2, window_bounds = array<i64: 256, 64>}, {transform_indices = @transform_3, window_bounds = array<i64: 256, 32>}, {pipeline_mode = #tpu.pipeline_mode<synchronous>, transform_indices = @transform_4, window_bounds = array<i64: 2, 64>}, {pipeline_mode = #tpu.pipeline_mode<synchronous>, transform_indices = @transform_5, window_bounds = array<i64: 1, 64>}, {pipeline_mode = #tpu.pipeline_mode<synchronous>, transform_indices = @transform_6, window_bounds = array<i64: 1, 64>}, {pipeline_mode = #tpu.pipeline_mode<synchronous>, transform_indices = @transform_7, window_bounds = array<i64: 1, 64>}, {pipeline_mode = #tpu.pipeline_mode<synchronous>, transform_indices = @transform_8, window_bounds = array<i64: 64, 64>}, {pipeline_mode = #tpu.pipeline_mode<synchronous>, transform_indices = @transform_9, window_bounds = array<i64: 1, 64>}, {pipeline_mode = #tpu.pipeline_mode<synchronous>, transform_indices = @transform_10, window_bounds = array<i64: 64, 64>}, {pipeline_mode = #tpu.pipeline_mode<synchronous>, transform_indices = @transform_11, window_bounds = array<i64: 1, 64>}, {pipeline_mode = #tpu.pipeline_mode<synchronous>, transform_indices = @transform_12, window_bounds = array<i64: 32, 32>}, {pipeline_mode = #tpu.pipeline_mode<synchronous>, transform_indices = @transform_13, window_bounds = array<i64: 1, 32>}, {pipeline_mode = #tpu.pipeline_mode<synchronous>, transform_indices = @transform_14, window_bounds = array<i64: 32, 32>}, {pipeline_mode = #tpu.pipeline_mode<synchronous>, transform_indices = @transform_15, window_bounds = array<i64: 1, 32>}, {transform_indices = @transform_16, window_bounds = array<i64: 256, 64>}, {transform_indices = @transform_17, window_bounds = array<i64: 256, 32>}]} {
    %get3A = arith.constant 0 : index
    %get3A_0 = arith.constant 0 : index
    %get3A_1 = vector.load %arg5[%get3A, %get3A_0] : memref<2x64xf32, #tpu.memory_space<vmem>>, vector<1x64xf32>
    %get3A_2 = vector.shape_cast %get3A_1 : vector<1x64xf32> to vector<64xf32>
    %div3A = arith.constant 1.638400e+05 : f32
    %div3A_3 = vector.broadcast %div3A : f32 to vector<64xf32>
    %div3A_4 = arith.divf %get3A_2, %div3A_3 : vector<64xf32>
    %get3A_5 = arith.constant 1 : index
    %get3A_6 = arith.constant 0 : index
    %get3A_7 = vector.load %arg5[%get3A_5, %get3A_6] : memref<2x64xf32, #tpu.memory_space<vmem>>, vector<1x64xf32>
    %get3A_8 = vector.shape_cast %get3A_7 : vector<1x64xf32> to vector<64xf32>
    %div3A_9 = arith.constant 1.638400e+05 : f32
    %div3A_10 = vector.broadcast %div3A_9 : f32 to vector<64xf32>
    %div3A_11 = arith.divf %get3A_8, %div3A_10 : vector<64xf32>
    %mul3A = arith.mulf %div3A_4, %div3A_4 : vector<64xf32>
    %sub3A = arith.subf %div3A_11, %mul3A : vector<64xf32>
    %add3A = arith.constant 9.99999974E-6 : f32
    %add3A_12 = vector.broadcast %add3A : f32 to vector<64xf32>
    %add3A_13 = arith.addf %sub3A, %add3A_12 : vector<64xf32>
    %rsqrt3A = math.rsqrt %add3A_13 : vector<64xf32>
    %get3A_14 = arith.constant 0 : index
    %get3A_15 = arith.constant 0 : index
    %get3A_16 = vector.load %arg7[%get3A_14, %get3A_15] : memref<1x64xf32, #tpu.memory_space<vmem>>, vector<1x64xf32>
    %get3A_17 = vector.shape_cast %get3A_16 : vector<1x64xf32> to vector<64xf32>
    %mul3A_18 = arith.mulf %rsqrt3A, %get3A_17 : vector<64xf32>
    %get3A_19 = arith.constant 0 : index
    %get3A_20 = arith.constant 0 : index
    %get3A_21 = vector.load %arg8[%get3A_19, %get3A_20] : memref<1x64xf32, #tpu.memory_space<vmem>>, vector<1x64xf32>
    %get3A_22 = vector.shape_cast %get3A_21 : vector<1x64xf32> to vector<64xf32>
    %get3A_23 = arith.constant 0 : index
    %get3A_24 = arith.constant 0 : index
    %get3A_25 = vector.load %arg6[%get3A_23, %get3A_24] : memref<1x64xf32, #tpu.memory_space<vmem>>, vector<1x64xf32>
    %get3A_26 = vector.shape_cast %get3A_25 : vector<1x64xf32> to vector<64xf32>
    %sub3A_27 = arith.subf %get3A_26, %div3A_4 : vector<64xf32>
    %mul3A_28 = arith.mulf %sub3A_27, %mul3A_18 : vector<64xf32>
    %add3A_29 = arith.addf %get3A_22, %mul3A_28 : vector<64xf32>
    %get3A_30 = arith.constant 0 : index
    %get3A_31 = arith.constant 0 : index
    %get3A_32 = vector.load %arg1[%get3A_30, %get3A_31] : memref<5120x128xf32, #tpu.memory_space<vmem>>, vector<5120x64xf32>
    %reshape3A = vector.shape_cast %get3A_32 : vector<5120x64xf32> to vector<256x20x64xf32>
    %get3A_33 = arith.constant 0 : index
    %get3A_34 = arith.constant 0 : index
    %get3A_35 = vector.load %arg2[%get3A_33, %get3A_34] : memref<256x64xf32, #tpu.memory_space<vmem>>, vector<256x64xf32>
    %broadcast_in_dim3A = vector.shape_cast %get3A_35 : vector<256x64xf32> to vector<256x1x64xf32>
    %sub3A_36 = vector.broadcast %broadcast_in_dim3A : vector<256x1x64xf32> to vector<256x20x64xf32>
    %sub3A_37 = arith.subf %reshape3A, %sub3A_36 : vector<256x20x64xf32>
    %broadcast_in_dim3A_38 = vector.shape_cast %mul3A_18 : vector<64xf32> to vector<1x1x64xf32>
    %mul3A_39 = vector.broadcast %broadcast_in_dim3A_38 : vector<1x1x64xf32> to vector<256x20x64xf32>
    %mul3A_40 = arith.mulf %sub3A_37, %mul3A_39 : vector<256x20x64xf32>
    %broadcast_in_dim3A_41 = vector.shape_cast %add3A_29 : vector<64xf32> to vector<1x1x64xf32>
    %add3A_42 = vector.broadcast %broadcast_in_dim3A_41 : vector<1x1x64xf32> to vector<256x20x64xf32>
    %add3A_43 = arith.addf %mul3A_40, %add3A_42 : vector<256x20x64xf32>
    %max3A = arith.constant 0.000000e+00 : f32
    %max3A_44 = vector.broadcast %max3A : f32 to vector<256x20x64xf32>
    %max3A_45 = arith.maximumf %add3A_43, %max3A_44 : vector<256x20x64xf32>
    %reshape3A_46 = vector.shape_cast %max3A_45 : vector<256x20x64xf32> to vector<5120x64xf32>
    %get3A_47 = arith.constant 0 : index
    %get3A_48 = arith.constant 0 : index
    %get3A_49 = vector.load %arg9[%get3A_47, %get3A_48] : memref<64x64xf32, #tpu.memory_space<vmem>>, vector<64x64xf32>
    %dot_general3A = arith.constant dense<0.000000e+00> : vector<5120x64xf32>
    %dot_general3A_50 = tpu.matmul %reshape3A_46, %get3A_49, %dot_general3A {dimension_numbers = #tpu.dot_dimension_numbers<[1], [0], [0], [1], [0, 0, 1, 1], [], []>, transpose_lhs_hint = false} : vector<5120x64xf32>, vector<64x64xf32>, vector<5120x64xf32> -> vector<5120x64xf32>
    %reshape3A_51 = vector.shape_cast %dot_general3A_50 : vector<5120x64xf32> to vector<256x20x64xf32>
    %reduce_max3A = arith.constant dense<0xFF800000> : vector<256x64xf32>
    %reduce_max3A_52 = vector.multi_reduction <maximumf>, %reshape3A_51, %reduce_max3A [1] : vector<256x20x64xf32> to vector<256x64xf32>
    %get3A_53 = arith.constant 0 : index
    %get3A_54 = arith.constant 0 : index
    %get3A_55 = vector.load %arg3[%get3A_53, %get3A_54] : memref<256x64xf32, #tpu.memory_space<vmem>>, vector<256x64xf32>
    %get3A_56 = arith.constant 0 : index
    %get3A_57 = arith.constant 0 : index
    %get3A_58 = vector.load %arg11[%get3A_56, %get3A_57] : memref<64x64xf32, #tpu.memory_space<vmem>>, vector<64x64xf32>
    %dot_general3A_59 = arith.constant dense<0.000000e+00> : vector<256x64xf32>
    %dot_general3A_60 = tpu.matmul %get3A_55, %get3A_58, %dot_general3A_59 {dimension_numbers = #tpu.dot_dimension_numbers<[1], [0], [0], [1], [0, 0, 1, 1], [], []>, transpose_lhs_hint = false} : vector<256x64xf32>, vector<64x64xf32>, vector<256x64xf32> -> vector<256x64xf32>
    %get3A_61 = arith.constant 0 : index
    %get3A_62 = arith.constant 0 : index
    %get3A_63 = vector.load %arg10[%get3A_61, %get3A_62] : memref<1x64xf32, #tpu.memory_space<vmem>>, vector<1x64xf32>
    %get3A_64 = vector.shape_cast %get3A_63 : vector<1x64xf32> to vector<64xf32>
    %broadcast_in_dim3A_65 = vector.shape_cast %get3A_64 : vector<64xf32> to vector<1x64xf32>
    %add3A_66 = vector.broadcast %broadcast_in_dim3A_65 : vector<1x64xf32> to vector<256x64xf32>
    %add3A_67 = arith.addf %reduce_max3A_52, %add3A_66 : vector<256x64xf32>
    %add3A_68 = arith.addf %add3A_67, %dot_general3A_60 : vector<256x64xf32>
    %get3A_69 = arith.constant 0 : index
    %get3A_70 = arith.constant 0 : index
    %get3A_71 = vector.load %arg12[%get3A_69, %get3A_70] : memref<1x64xf32, #tpu.memory_space<vmem>>, vector<1x64xf32>
    %get3A_72 = vector.shape_cast %get3A_71 : vector<1x64xf32> to vector<64xf32>
    %broadcast_in_dim3A_73 = vector.shape_cast %get3A_72 : vector<64xf32> to vector<1x64xf32>
    %add3A_74 = vector.broadcast %broadcast_in_dim3A_73 : vector<1x64xf32> to vector<256x64xf32>
    %add3A_75 = arith.addf %add3A_68, %add3A_74 : vector<256x64xf32>
    %swap3A = arith.constant 0 : index
    %swap3A_76 = arith.constant 0 : index
    %swap3A_77 = vector.load %arg17[%swap3A, %swap3A_76] : memref<256x64xf32, #tpu.memory_space<vmem>>, vector<256x64xf32>
    tpu.vector_store %arg17[%swap3A, %swap3A_76], %add3A_75 {strides = array<i32>} : memref<256x64xf32, #tpu.memory_space<vmem>>, vector<256x64xf32>,
    %get3A_78 = arith.constant 0 : index
    %get3A_79 = arith.constant 64 : index
    %get3A_80 = vector.load %arg1[%get3A_78, %get3A_79] : memref<5120x128xf32, #tpu.memory_space<vmem>>, vector<5120x32xf32>
    %reshape3A_81 = vector.shape_cast %get3A_80 : vector<5120x32xf32> to vector<256x20x32xf32>
    %reduce_sum3A = arith.constant dense<0.000000e+00> : vector<256x32xf32>
    %reduce_sum3A_82 = vector.multi_reduction <add>, %reshape3A_81, %reduce_sum3A [1] : vector<256x20x32xf32> to vector<256x32xf32>
    %mul3A_83 = arith.constant 5.000000e-02 : f32
    %mul3A_84 = vector.broadcast %mul3A_83 : f32 to vector<256x32xf32>
    %mul3A_85 = arith.mulf %reduce_sum3A_82, %mul3A_84 : vector<256x32xf32>
    %get3A_86 = arith.constant 0 : index
    %get3A_87 = arith.constant 0 : index
    %get3A_88 = vector.load %arg4[%get3A_86, %get3A_87] : memref<256x32xf32, #tpu.memory_space<vmem>>, vector<256x32xf32>
    %sub3A_89 = arith.subf %mul3A_85, %get3A_88 : vector<256x32xf32>
    %get3A_90 = arith.constant 0 : index
    %get3A_91 = arith.constant 0 : index
    %get3A_92 = vector.load %arg13[%get3A_90, %get3A_91] : memref<32x32xf32, #tpu.memory_space<vmem>>, vector<32x32xf32>
    %dot_general3A_93 = arith.constant dense<0.000000e+00> : vector<256x32xf32>
    %dot_general3A_94 = tpu.matmul %sub3A_89, %get3A_92, %dot_general3A_93 {dimension_numbers = #tpu.dot_dimension_numbers<[1], [0], [0], [1], [0, 0, 1, 1], [], []>, transpose_lhs_hint = false} : vector<256x32xf32>, vector<32x32xf32>, vector<256x32xf32> -> vector<256x32xf32>
    %get3A_95 = arith.constant 0 : index
    %get3A_96 = arith.constant 0 : index
    %get3A_97 = vector.load %arg4[%get3A_95, %get3A_96] : memref<256x32xf32, #tpu.memory_space<vmem>>, vector<256x32xf32>
    %get3A_98 = arith.constant 0 : index
    %get3A_99 = arith.constant 0 : index
    %get3A_100 = vector.load %arg15[%get3A_98, %get3A_99] : memref<32x32xf32, #tpu.memory_space<vmem>>, vector<32x32xf32>
    %dot_general3A_101 = arith.constant dense<0.000000e+00> : vector<256x32xf32>
    %dot_general3A_102 = tpu.matmul %get3A_97, %get3A_100, %dot_general3A_101 {dimension_numbers = #tpu.dot_dimension_numbers<[1], [0], [0], [1], [0, 0, 1, 1], [], []>, transpose_lhs_hint = false} : vector<256x32xf32>, vector<32x32xf32>, vector<256x32xf32> -> vector<256x32xf32>
    %get3A_103 = arith.constant 0 : index
    %get3A_104 = arith.constant 0 : index
    %get3A_105 = vector.load %arg14[%get3A_103, %get3A_104] : memref<1x32xf32, #tpu.memory_space<vmem>>, vector<1x32xf32>
    %get3A_106 = vector.shape_cast %get3A_105 : vector<1x32xf32> to vector<32xf32>
    %broadcast_in_dim3A_107 = vector.shape_cast %get3A_106 : vector<32xf32> to vector<1x32xf32>
    %add3A_108 = vector.broadcast %broadcast_in_dim3A_107 : vector<1x32xf32> to vector<256x32xf32>
    %add3A_109 = arith.addf %dot_general3A_94, %add3A_108 : vector<256x32xf32>
    %add3A_110 = arith.addf %add3A_109, %dot_general3A_102 : vector<256x32xf32>
    %get3A_111 = arith.constant 0 : index
    %get3A_112 = arith.constant 0 : index
    %get3A_113 = vector.load %arg16[%get3A_111, %get3A_112] : memref<1x32xf32, #tpu.memory_space<vmem>>, vector<1x32xf32>
    %get3A_114 = vector.shape_cast %get3A_113 : vector<1x32xf32> to vector<32xf32>
    %broadcast_in_dim3A_115 = vector.shape_cast %get3A_114 : vector<32xf32> to vector<1x32xf32>
    %add3A_116 = vector.broadcast %broadcast_in_dim3A_115 : vector<1x32xf32> to vector<256x32xf32>
    %add3A_117 = arith.addf %add3A_110, %add3A_116 : vector<256x32xf32>
    %swap3A_118 = arith.constant 0 : index
    %swap3A_119 = arith.constant 0 : index
    %swap3A_120 = vector.load %arg18[%swap3A_118, %swap3A_119] : memref<256x32xf32, #tpu.memory_space<vmem>>, vector<256x32xf32>
    tpu.vector_store %arg18[%swap3A_118, %swap3A_119], %add3A_117 {strides = array<i32>} : memref<256x32xf32, #tpu.memory_space<vmem>>, vector<256x32xf32>,
    return
  }
  func.func @transform_0(%arg0: i32) -> (i32, i32) {
    %c0_i32 = arith.constant 0 : i32
    %c0_i32_0 = arith.constant 0 : i32
    return %arg0, %c0_i32 : i32, i32
  }
  func.func @transform_1(%arg0: i32) -> (i32, i32) {
    %c0_i32 = arith.constant 0 : i32
    %c0_i32_0 = arith.constant 0 : i32
    return %arg0, %c0_i32 : i32, i32
  }
  func.func @transform_2(%arg0: i32) -> (i32, i32) {
    %c0_i32 = arith.constant 0 : i32
    %c0_i32_0 = arith.constant 0 : i32
    return %arg0, %c0_i32 : i32, i32
  }
  func.func @transform_3(%arg0: i32) -> (i32, i32) {
    %c0_i32 = arith.constant 0 : i32
    %c0_i32_0 = arith.constant 0 : i32
    return %arg0, %c0_i32 : i32, i32
  }
  func.func @transform_4(%arg0: i32) -> (i32, i32) {
    %c0_i32 = arith.constant 0 : i32
    %c0_i32_0 = arith.constant 0 : i32
    %c0_i32_1 = arith.constant 0 : i32
    return %c0_i32, %c0_i32_0 : i32, i32
  }
  func.func @transform_5(%arg0: i32) -> (i32, i32) {
    %c0_i32 = arith.constant 0 : i32
    %c0_i32_0 = arith.constant 0 : i32
    %c0_i32_1 = arith.constant 0 : i32
    return %c0_i32, %c0_i32_0 : i32, i32
  }
  func.func @transform_6(%arg0: i32) -> (i32, i32) {
    %c0_i32 = arith.constant 0 : i32
    %c0_i32_0 = arith.constant 0 : i32
    %c0_i32_1 = arith.constant 0 : i32
    return %c0_i32, %c0_i32_0 : i32, i32
  }
  func.func @transform_7(%arg0: i32) -> (i32, i32) {
    %c0_i32 = arith.constant 0 : i32
    %c0_i32_0 = arith.constant 0 : i32
    %c0_i32_1 = arith.constant 0 : i32
    return %c0_i32, %c0_i32_0 : i32, i32
  }
  func.func @transform_8(%arg0: i32) -> (i32, i32) {
    %c0_i32 = arith.constant 0 : i32
    %c0_i32_0 = arith.constant 0 : i32
    %c0_i32_1 = arith.constant 0 : i32
    return %c0_i32, %c0_i32_0 : i32, i32
  }
  func.func @transform_9(%arg0: i32) -> (i32, i32) {
    %c0_i32 = arith.constant 0 : i32
    %c0_i32_0 = arith.constant 0 : i32
    %c0_i32_1 = arith.constant 0 : i32
    return %c0_i32, %c0_i32_0 : i32, i32
  }
  func.func @transform_10(%arg0: i32) -> (i32, i32) {
    %c0_i32 = arith.constant 0 : i32
    %c0_i32_0 = arith.constant 0 : i32
    %c0_i32_1 = arith.constant 0 : i32
    return %c0_i32, %c0_i32_0 : i32, i32
  }
  func.func @transform_11(%arg0: i32) -> (i32, i32) {
    %c0_i32 = arith.constant 0 : i32
    %c0_i32_0 = arith.constant 0 : i32
    %c0_i32_1 = arith.constant 0 : i32
    return %c0_i32, %c0_i32_0 : i32, i32
  }
  func.func @transform_12(%arg0: i32) -> (i32, i32) {
    %c0_i32 = arith.constant 0 : i32
    %c0_i32_0 = arith.constant 0 : i32
    %c0_i32_1 = arith.constant 0 : i32
    return %c0_i32, %c0_i32_0 : i32, i32
  }
  func.func @transform_13(%arg0: i32) -> (i32, i32) {
    %c0_i32 = arith.constant 0 : i32
    %c0_i32_0 = arith.constant 0 : i32
    %c0_i32_1 = arith.constant 0 : i32
    return %c0_i32, %c0_i32_0 : i32, i32
  }
  func.func @transform_14(%arg0: i32) -> (i32, i32) {
    %c0_i32 = arith.constant 0 : i32
    %c0_i32_0 = arith.constant 0 : i32
    %c0_i32_1 = arith.constant 0 : i32
    return %c0_i32, %c0_i32_0 : i32, i32
  }
  func.func @transform_15(%arg0: i32) -> (i32, i32) {
    %c0_i32 = arith.constant 0 : i32
    %c0_i32_0 = arith.constant 0 : i32
    %c0_i32_1 = arith.constant 0 : i32
    return %c0_i32, %c0_i32_0 : i32, i32
  }
  func.func @transform_16(%arg0: i32) -> (i32, i32) {
    %c0_i32 = arith.constant 0 : i32
    %c0_i32_0 = arith.constant 0 : i32
    return %arg0, %c0_i32 : i32, i32
  }
  func.func @transform_17(%arg0: i32) -> (i32, i32) {
    %c0_i32 = arith.constant 0 : i32
    %c0_i32_0 = arith.constant 0 : i32
    return %arg0, %c0_i32 : i32, i32
  }
}

</mosaic_0001>

<sc_bundles>
// kernel: kernel.6.cloned.1.call-start
scs
__scs_entry_jumppad:
0x0: {  	(pc) =	sbr.rel $0x88, $3  }
0x1: {  	(tag) =	ssettag $0x0;
	lr =	simm.s32 $0x1  }
0x2: {  	[smem:$0x3F93] =	sst lr;
	_ =	strace $0xD0000000  }
0x3: {  	_ = 	snop  }
0x4: {  	_ = 	snop  }
0x5: {  	_ = 	snop  }
0x6: {  	_ = 	snop  }
0x7: {  	_ = 	snop  }
__scs_overlays_trampoline_lowered:
0x8: {  	[smem:$0x3FA2] =	sst s0  }
0x9: {  	[smem:$0x3FA3] =	sst s1  }
0xa: {  	[smem:$0x3FA4] =	sst s2  }
0xb: {  	[smem:$0x3FA5] =	sst s3  }
0xc: {  	[smem:$0x3FA6] =	sst s4  }
0xd: {  	[smem:$0x3FA7] =	sst s5  }
0xe: {  	[smem:$0x3FA8] =	sst s6  }
0xf: {  	[smem:$0x3FA9] =	sst s7  }
0x10: {  	[smem:$0x3FAA] =	sst s8  }
0x11: {  	[smem:$0x3FAB] =	sst s9;
	s0 =	simm.s32 @!p0 $0x0  }
0x12: {  	s1 =	sld [smem:$0x3F91];
	s0 =	simm.s32 @p0 $0x1  }
0x13: {  	[smem:$0x3FAC] =	sst s0;
	s0 =	simm.s32 @!p1 $0x0  }
0x14: {  	s2 =	sld [smem:$0x3F90];
	s0 =	simm.s32 @p1 $0x1  }
0x15: {  	[smem:$0x3FAD] =	sst s0;
	s0 =	simm.s32 @!p2 $0x0  }
0x16: {  	s3 =	sld [smem:$0x3FDB];
	s0 =	simm.s32 @p2 $0x1  }
0x17: {  	s4 =	simm.s32 $0x1BF5;
	[smem:$0x3FAF] =	sst s0  }
0x18: {  	s0 =	sld [smem:$0x3F92];
	_ =	swait.ge [sflag:s4], $0x0  }
0x19: {  	s7 =	sld [smem:$0x3F93]  }
0x1a: {  	s8 =	sadd.s32 $0xFFFFE003, lr  }
0x1b: {  	s9 =	sadd.s32 $0xFFFFFEF7, lr;
	s5 =	simm.s32 $0xFFFFFFFF;
	p2 =	slt.u32 s8, $0xFFFFF086  }
0x1c: {  	p1 =	slt.u32 s9, $0xF7A;
	s5 =	simm.s32 @!p2 $0x0  }
0x1d: {  	s5 =	simm.s32 @p1 $0x1;
	p0 =	seq.s32 s7, s2  }
0x1e: {  	s7 =	smul.u32 @!p0 $0xF7A, s2;
	p2 =	seq.s32 @!p0 s5, $0x0  }
0x1f: {  	s9 =	smul.u32 $0xF7A, s1;
	s8 =	simm.s32 @!p0 $0x1BF5;
	p2 =	por !p2, p0  }
0x20: {  	[sflag:s8] =	ssyncset.s32 @!p0 $0xFFFFF086;
	s6 =	sadd.s32 @!p0 s3, s7;
	s7 =	simm.s32 @!p0 $0x108  }
0x21: {  	s3 =	sadd.s32 s3, s9;
	s6 =	sadd.s32 @!p0 $0x88, s6;
	s7 =	simm.s32 @p2 $0x1082  }
0x22: {  	[simem:s7], [sflag:s8] =	dma.local @!p0 [hbm:s6], $0xF7A  }
0x23: {  	s9 =	sor.u32 $0xD0000000, s2;
	s6 =	simm.s32 $0x108;
	_ =	swait.ge @!p0 [sflag:s8], $0x0  }
0x24: {  	s3 =	sadd.s32 $0x88, s3;
	s6 =	simm.s32 @!p1 $0x1082;
	[sflag:s4] =	ssyncset.s32 $0xFFFFF086  }
0x25: {  	[simem:s6], [sflag:s4] =	dma.local [hbm:s3], $0xF7A  }
0x26: {  	[smem:$0x3F93] =	sst s1;
	(tag) =	ssettag s2;
	_ =	strace s9  }
0x27: {  	s1 =	sld [smem:$0x3FA3]  }
0x28: {  	s2 =	sld [smem:$0x3FA4]  }
0x29: {  	s4 =	sld [smem:$0x3FA6]  }
0x2a: {  	p0 =	seq.s32 s5, $0x0;
	s5 =	sld [smem:$0x3FA7]  }
0x2b: {  	s6 =	sld [smem:$0x3FA8]  }
0x2c: {  	s7 =	sld [smem:$0x3FA9]  }
0x2d: {  	s3 =	simm.s32 $0x108;
	s8 =	sld [smem:$0x3FAA]  }
0x2e: {  	s3 =	simm.s32 @!p0 $0x1082;
	s9 =	sld [smem:$0x3FAB]  }
0x2f: {  	lr =	sadd.s32 s0, s3;
	s0 =	sld [smem:$0x3FA2]  }
0x30: {  	s3 =	sld [smem:$0x3FA5]  }
0x31: {  	[smem:$0x3FAE] =	sst s10  }
0x32: {  	s10 =	sld [smem:$0x3FAC];
	_ =	sdelay $0x3  }
0x33: {  	p0 =	seq.s32 s10, $0x1;
	s10 =	sld [smem:$0x3FAE];
	_ =	sdelay $0x3  }
0x34: {  	[smem:$0x3FAE] =	sst s10  }
0x35: {  	s10 =	sld [smem:$0x3FAD];
	_ =	sdelay $0x3  }
0x36: {  	p1 =	seq.s32 s10, $0x1;
	s10 =	sld [smem:$0x3FAE];
	_ =	sdelay $0x3  }
0x37: {  	[smem:$0x3FAE] =	sst s10  }
0x38: {  	s10 =	sld [smem:$0x3FAF]  }
0x39: {  	_ = 	snop;
	(pc) =	sbr.ind lr, $3  }
0x3a: {  	_ = 	snop  }
0x3b: {  	_ = 	snop  }
0x3c: {  	p2 =	seq.s32 s10, $0x1;
	s10 =	sld [smem:$0x3FAE]  }
0x3d: {  	_ =	shalt  }
0x3e: {  	_ =	shalt  }
0x3f: {  	_ =	shalt  }
0x40: {  	_ =	shalt  }
0x41: {  	_ =	shalt  }
0x42: {  	_ =	shalt  }
0x43: {  	_ =	shalt  }
0x44: {  	_ =	shalt  }
0x45: {  	_ =	shalt  }
0x46: {  	_ =	shalt  }
0x47: {  	_ =	shalt  }
0x48: {  	_ =	shalt  }
0x49: {  	_ =	shalt  }
0x4a: {  	_ =	shalt  }
0x4b: {  	_ =	shalt  }
0x4c: {  	_ =	shalt  }
0x4d: {  	_ =	shalt  }
0x4e: {  	_ =	shalt  }
0x4f: {  	_ =	shalt  }
0x50: {  	_ =	shalt  }
0x51: {  	_ =	shalt  }
0x52: {  	_ =	shalt  }
0x53: {  	_ =	shalt  }
0x54: {  	_ =	shalt  }
0x55: {  	_ =	shalt  }
0x56: {  	_ =	shalt  }
0x57: {  	_ =	shalt  }
0x58: {  	_ =	shalt  }
0x59: {  	_ =	shalt  }
0x5a: {  	_ =	shalt  }
0x5b: {  	_ =	shalt  }
0x5c: {  	_ =	shalt  }
0x5d: {  	_ =	shalt  }
0x5e: {  	_ =	shalt  }
0x5f: {  	_ =	shalt  }
0x60: {  	_ =	shalt  }
0x61: {  	_ =	shalt  }
0x62: {  	_ =	shalt  }
0x63: {  	_ =	shalt  }
0x64: {  	_ =	shalt  }
0x65: {  	_ =	shalt  }
0x66: {  	_ =	shalt  }
0x67: {  	_ =	shalt  }
0x68: {  	_ =	shalt  }
0x69: {  	_ =	shalt  }
0x6a: {  	_ =	shalt  }
0x6b: {  	_ =	shalt  }
0x6c: {  	_ =	shalt  }
0x6d: {  	_ =	shalt  }
0x6e: {  	_ =	shalt  }
0x6f: {  	_ =	shalt  }
0x70: {  	_ =	shalt  }
0x71: {  	_ =	shalt  }
0x72: {  	_ =	shalt  }
0x73: {  	_ =	shalt  }
0x74: {  	_ =	shalt  }
0x75: {  	_ =	shalt  }
0x76: {  	_ =	shalt  }
0x77: {  	_ =	shalt  }
0x78: {  	_ =	shalt  }
0x79: {  	_ =	shalt  }
0x7a: {  	_ =	shalt  }
0x7b: {  	_ =	shalt  }
0x7c: {  	_ =	shalt  }
0x7d: {  	_ =	shalt  }
0x7e: {  	_ =	shalt  }
0x7f: {  	_ =	shalt  }
0x80: {  	_ =	shalt  }
0x81: {  	_ =	shalt  }
0x82: {  	_ =	shalt  }
0x83: {  	_ =	shalt  }
0x84: {  	_ =	shalt  }
0x85: {  	_ =	shalt  }
0x86: {  	_ =	shalt  }
0x87: {  	_ =	shalt  }
.Lfunc_end0:
.L_simem_size_0:
called_computation_lowered:
.L_overlay_start_0:
0x88: {  	s2 =	sld [smem:$0x3FD9]  }
0x89: {  	s3 =	sld [smem:$0x3FFE];
	_ =	sdelay $0x1  }
0x8a: {  	s1 =	srdreg.scid  }
0x8b: {  	s0 =	sand.u32 $0x1, s1  }
0x8c: {  	s14 =	sshll.u32 s0, $0xA;
	s2 =	sadd.s32 s3, s2  }
0x8d: {  	s2 =	sadd.s32 s2, s14  }
0x8e: {  	[smem:$0x3FBA] =	sst s2  }
0x8f: {  	_ = 	snop  }
0x90: {  	s2 =	sld [smem:$0x3FD0];
	_ =	sdelay $0x2  }
0x91: {  	s15 =	simm.s32 $0xA;
	s4 =	simm.s32 $0x10  }
0x92: {  	[smem:s4], [sflag:s15] =	dma.local [hbm:s2], $0x1  }
0x93: {  	_ =	swait.eq [sflag:s15], $0x1  }
0x94: {  	[sflag:s15] =	ssyncset.done $0x0  }
0x95: {  	[sflag:s15] =	ssyncadd.s32 $0xFFFFFFFF  }
0x96: {  	s16 =	sld [smem:$0x11];
	(tm) =	ssettm $0x1  }
0x97: {  	s17 =	sld [smem:$0x3FFB];
	_ =	sdelay $0x3  }
0x98: {  	_ =	strace s17  }
0x99: {  	s3 =	sld [smem:$0x3FFC];
	_ =	sdelay $0x3  }
0x9a: {  	_ =	strace s3  }
0x9b: {  	s3 =	sld [smem:$0x3FFD];
	_ =	sdelay $0x3  }
0x9c: {  	_ =	strace s3  }
0x9d: {  	_ =	strace $0x8FFFFFFF  }
0x9e: {  	s18 =	sld [smem:$0x3FDB];
	_ =	sdelay $0x1  }
0x9f: {  	s19 =	simm.s32 $_scs_section_size  }
0xa0: {  	s5 =	simm.s32 $_size__tile_overlayer_lowered;
	s6 =	simm.s32 $_tile_overlayer_lowered  }
0xa1: {  	s22 =	simm.s32 $0x1BFF;
	s21 =	sshll.u32 s6, $0x1;
	s3 =	sadd.s32 s19, s18  }
0xa2: {  	s7 =	simm.s32 $0x0;
	s20 =	sshll.u32 s5, $0x1;
	s5 =	sadd.s32 s21, s3  }
0xa3: {  	[timem:s7], [sflag:s22] =	dma.local [hbm:s5], s20  }
0xa4: {  	_ =	swait.ge [sflag:s22], s20  }
0xa5: {  	s4 =	ssub.s32 $0x0, s20;
	[sflag:s22] =	ssyncset.done $0x0  }
0xa6: {  	[sflag:s22] =	ssyncadd.s32 s4;
	_ =	sdelay $0x1  }
0xa7: {  	s23 =	simm.s32 $0x1B8B  }
0xa8: {  	_ =	swait.ge [sflag:s23], $0x1  }
0xa9: {  	[sflag:s23] =	ssyncset.done $0x0  }
0xaa: {  	s25 =	simm.s32 $0x1B8E;
	s24 =	sld [smem:$0x3FFE];
	[sflag:s23] =	ssyncadd.s32 $0xFFFFFFFF  }
0xab: {  	s26 =	simm.s32 $execute0_lowered;
	[smem:$0x3FD2] =	sst s25  }
0xac: {  	s5 =	sshll.u32 s26, $0x1;
	_ =	strace $0x80000046;
	[dreg:$0x1] =	wrdreg $0xFFFFFFFF  }
0xad: {  	s28 =	simm.s32 $_size_execute0_lowered;
	s3 =	sadd.s32 s3, s5;
	[dreg:$0x0] =	wrdreg $0x0  }
0xae: {  	s5 =	sshll.u32 s28, $0x1;
	[dreg:$0x2] =	wrdreg s3  }
0xaf: {  	[dreg:$0x3] =	wrdreg s5  }
0xb0: {  	[dreg:$0x4] =	wrdreg $0xC0  }
0xb1: {  	_ =	task [dreg:s7], $0x5FFFF  }
0xb2: {  	[dreg:$0x1] =	wrdreg $0xFFFFFFFF  }
0xb3: {  	[dreg:$0x0] =	wrdreg $0x60  }
0xb4: {  	[dreg:$0x2] =	wrdreg s24  }
0xb5: {  	[dreg:$0x3] =	wrdreg s16  }
0xb6: {  	[dreg:$0x4] =	wrdreg $0x9  }
0xb7: {  	_ =	task.clear_ibuf [dreg:s7], $0x5FFFF;
	_ =	strace $0x90000046  }
0xb8: {  	s29 =	simm.s32 $0x9;
	_ =	strace $0x80000048  }
0xb9: {  	_ =	swait.ge [sflag:s29], $0x1  }
0xba: {  	[sflag:s29] =	ssyncadd.s32 $0xFFFFFFFF  }
0xbb: {  	_ =	strace $0x90000048  }
0xbc: {  	_ =	sfence  }
0xbd: {  	s30 =	sld [smem:$0x0];
	_ =	sdelay $0x2  }
0xbe: {  	s31 =	sshll.u32 s1, $0xD;
	s1 =	sshrl.u32 s1, $0x2  }
0xbf: {  	s3 =	sand.u32 $0x4000, s31;
	s1 =	sadd.s32 s1, s30  }
0xc0: {  	s0 =	sor.u32 s3, s0;
	s1 =	sshll.u32 s1, $0x11  }
0xc1: {  	s0 =	sor.u32 s1, s0  }
0xc2: {  	s0 =	sadd.s32 $0x8F2B, s0  }
0xc3: {  	[sflag:s0] =	ssyncadd.remote.s32 $0x1  }
0xc4: {  	_ =	sfence.sel $0xFFFF  }
0xc5: {  	[dreg:$0x0] =	wrdreg $0xFFFFFFFF;
	(pc) =	sbr.abs _section_cstart, $3  }
0xc6: {  	[dreg:$0x1] =	wrdreg $0xFFFFFFFF  }
0xc7: {  	_ =	task.clear_ibuf [dreg:s7], $0x2FFFF;
	_ =	strace $0x9FFFFFFF  }
0xc8: {  	(tm) =	ssettm $0x7FFFFFFF  }
0xc9: {  	_ =	shalt  }
tec
execute0_lowered:
.L_overlay_start_1:
0x0: {  	(tag) =	ssettag $0x1  }
0x1: {  	s3 =	rddreg [dreg:$0x0]  }
0x2: {  	s6 =	rddreg [dreg:$0x1]  }
0x3: {  	s0 =	rddreg [dreg:$0x2];
	s1 =	stileid.u32  }
0x4: {  	s2 =	simm.s32 $0x0;
	s5 =	srdreg.scid;
	s4 =	smul.u32 $0x28000, s1  }
0x5: {  	[smem:$0x7FF] =	sst s2;
	s5 =	sand.u32 $0x1, s5;
	s7 =	smul.u32 $0x2800, s1  }
0x6: {  	_ =	strace $0x80000047;
	s8 =	ssub.s32 $0x2, s5;
	s9 =	smul.u32 $0x1400, s5  }
0x7: {  	s5 =	smul.u32 $0x14000, s5;
	s10 =	sadd.s32 s4, s3;
	s31 =	sshrl.u32 s8, $0x1  }
0x8: {  	s3 =	sadd.s32 $0x22600, s3;
	s4 =	ssub.s32 s8, s31;
	s7 =	sadd.s32 s9, s7  }
0x9: {  	s5 =	sadd.s32 s5, s10;
	s8 =	simm.s32 $0x80;
	s9 =	simm.s32 $0x1  }
0xa: {  	s10 =	simm.s32 $0x0;
	s4 =	smax.u32 s4, $0x1;
	s7 =	sshrl.u32 s7, $0x3  }
0xb: {  	s5 =	sadd.s32 $0x42600, s5;
	s6 =	sadd.s32 s7, s6;
	s7 =	simm.s32 $0x2  }
.LBB2_1:
0xc: {  	s11 =	sadd.s32 $0x0, s6  }
0xd: {  	[tilespmem:s2], [sflag:$0x2] =	stream.linear.gather [hbm4b:s11+s2], $0x80, $0x38;
	[tilespmem:$0x4080] =	vst v63  }
0xe: {  	_ =	swait.ge [sflag:s7], $0x80  }
0xf: {  	[sflag:s7] =	ssyncset.done $0x0  }
0x10: {  	[sflag:s7] =	ssyncadd.s32 $0xFFFFFF80  }
0x11: {  	[tilespmem:s8], [sflag:$0x1] =	stream.indirect.gather [hbm4b:s3+s8], $0x80, s2, s8, $0xb8;
	[tilespmem:$0x4080] =	vst v63  }
0x12: {  	_ =	swait.ge [sflag:s9], $0x4000  }
0x13: {  	[sflag:s9] =	ssyncset.done $0x0  }
0x14: {  	[sflag:s9] =	ssyncadd.s32 $0xFFFFC000  }
0x15: {  	[hbm4b:s5+s2] =	stream.linear.scatter [tilespmem:s8], [sflag:$0x2], $0x4000, $0x38;
	[tilespmem:$0x4080] =	vst v63  }
0x16: {  	s12 =	simm.s32 $0x10;
	_ =	swait.ge [sflag:s7], $0x4000  }
0x17: {  	s13 =	simm.s32 $0x20;
	s11 =	sadd.s32 $0x800, s5;
	[sflag:s7] =	ssyncset.done $0x0  }
.LBB2_2:
0x18: {  	s14 =	sadd.s32 s12, s6  }
0x19: {  	[sflag:s7] =	ssyncadd.s32 $0xFFFFC000;
	s12 =	smov.u32 s13;
	s15 =	sadd.s32 $0x10, s13  }
0x1a: {  	[tilespmem:s2], [sflag:$0x2] =	stream.linear.gather [hbm4b:s14+s2], $0x80, $0x38;
	[tilespmem:$0x4080] =	vst v63  }
0x1b: {  	p0 =	sne.s32 s13, $0x270;
	_ =	swait.ge [sflag:s7], $0x80  }
0x1c: {  	[sflag:s7] =	ssyncset.done $0x0  }
0x1d: {  	[sflag:s7] =	ssyncadd.s32 $0xFFFFFF80  }
0x1e: {  	[tilespmem:s8], [sflag:$0x1] =	stream.indirect.gather [hbm4b:s3+s8], $0x80, s2, s8, $0xb8;
	[tilespmem:$0x4080] =	vst v63  }
0x1f: {  	_ =	swait.ge [sflag:s9], $0x4000  }
.Ltmp0:
0x20: {  	[sflag:s9] =	ssyncset.done $0x0;
	(pc) =	sbr.rel @p0 .LBB2_2-.Ltmp0, $4  }
0x21: {  	[sflag:s9] =	ssyncadd.s32 $0xFFFFC000  }
0x22: {  	[hbm4b:s11+s2] =	stream.linear.scatter [tilespmem:s8], [sflag:$0x2], $0x4000, $0x38;
	[tilespmem:$0x4080] =	vst v63  }
0x23: {  	_ =	swait.ge [sflag:s7], $0x4000  }
0x24: {  	s13 =	smov.u32 s15;
	s11 =	sadd.s32 $0x800, s11;
	[sflag:s7] =	ssyncset.done $0x0  }
0x25: {  	s12 =	sadd.s32 s12, s6;
	[sflag:s7] =	ssyncadd.s32 $0xFFFFC000  }
0x26: {  	[tilespmem:s2], [sflag:$0x2] =	stream.linear.gather [hbm4b:s12+s2], $0x80, $0x38;
	[tilespmem:$0x4080] =	vst v63  }
0x27: {  	_ =	swait.ge [sflag:s7], $0x80  }
0x28: {  	[sflag:s7] =	ssyncset.done $0x0  }
0x29: {  	[sflag:s7] =	ssyncadd.s32 $0xFFFFFF80  }
0x2a: {  	[tilespmem:s8], [sflag:$0x1] =	stream.indirect.gather [hbm4b:s3+s8], $0x80, s2, s8, $0xb8;
	[tilespmem:$0x4080] =	vst v63  }
0x2b: {  	s10 =	sadd.s32 $0x1, s10;
	_ =	swait.ge [sflag:s9], $0x4000  }
0x2c: {  	p0 =	sne.s32 s10, s4;
	[sflag:s9] =	ssyncset.done $0x0  }
.Ltmp1:
0x2d: {  	[sflag:s9] =	ssyncadd.s32 $0xFFFFC000;
	(pc) =	sbr.rel @p0 .LBB2_1-.Ltmp1, $4  }
0x2e: {  	[hbm4b:s11+s2] =	stream.linear.scatter [tilespmem:s8], [sflag:$0x2], $0x4000, $0x38;
	[tilespmem:$0x4080] =	vst v63  }
0x2f: {  	_ =	swait.ge [sflag:s7], $0x4000  }
0x30: {  	[sflag:s7] =	ssyncset.done $0x0  }
0x31: {  	[sflag:s7] =	ssyncadd.s32 $0xFFFFC000  }
0x32: {  	_ =	sfence.sel $0x180000  }
0x33: {  	[bflag:$0x0] =	sbarrier.arrive $0xFFFF  }
0x34: {  	p0 =	sne.s32 s1, $0x0;
	_ =	strace $0x90000047  }
0x35: {  	s0 =	sadd.s32 @!p0 $0x100000, s0;
	[bflag:$0x2] =	sbarrier.arrive $0xFFFF  }
0x36: {  	[sflag:s0] =	ssyncadd.tile.s32 @!p0 $0x1;
	_ =	shalt  }
.Lfunc_end2:
_tile_overlayer_lowered:
.L_overlay_start_2:
0x37: {  	(tag) =	ssettag $0x2  }
0x38: {  	s0 =	rddreg [dreg:$0x0];
	s2 =	stileid.u32  }
0x39: {  	s1 =	rddreg [dreg:$0x1];
	p0 =	sne.s32 s2, $0x0  }
0x3a: {  	s3 =	rddreg [dreg:$0x2];
	[bflag:$0x3] =	sbarrier.arrive $0xFFFF;
	s2 =	simm.s32 @!p0 $0x1C02  }
0x3b: {  	[timem:s3], [sflag:s2] =	dma.local @!p0 [hbm:s0], s1  }
0x3c: {  	s0 =	simm.s32 @!p0 $0x2  }
0x3d: {  	_ =	swait.ge @!p0 [sflag:s0], s1  }
0x3e: {  	s1 =	ssub.s32 @!p0 $0x0, s1;
	[sflag:s0] =	ssyncset.done @!p0 $0x0  }
0x3f: {  	[sflag:s0] =	ssyncadd.s32 @!p0 s1  }
0x40: {  	[bflag:$0x3] =	sbarrier.arrive $0xFFFF  }
0x41: {  	_ =	shalt  }

</sc_bundles>
